<compile_context>
chip_gen: v7x
topology: tpu7x:2x2x1
jax: 0.10.2.dev20260603
libtpu: 0.0.44.dev20260713+nightly
codegen_flags: <defaults>
</compile_context>

<pallas_src>
import functools

import jax
import jax.numpy as jnp
from jax import lax
from jax.experimental import pallas as pl
from jax.experimental.pallas import tpu as pltpu
from jax.experimental.pallas import tpu_sc as plsc
from jax._src.pallas import mpmd as _mpmd

M = 100000
D = 128
B = 16384
NW = 32
ROWS = 3128
ROWS_LAST = M - (NW - 1) * ROWS
S = B // NW
CHR = 128
L = 16


def _tc_copy_body(i_img, i_lab, i_rt, i_lr, o_img, o_lab, o_rt, o_lr):
    o_img[...] = i_img[...]

    @pl.when(pl.program_id(0) == 0)
    def _():
        o_lab[...] = i_lab[...]
        o_rt[...] = i_rt[...]
        o_lr[...] = i_lr[...]


UCH = 128
NUC = S // UCH


def _apply_body(i_img, i_label, i_rt, i_lr, pmap_hbm, keys_hbm, x_hbm, y_hbm,
                o_img, o_label, o_rt, o_lr,
                kv, vstar, yv, zv, kc0, kc1, rows0, rows1, sem_a, sem_b, sem_s0, sem_s1):
    del i_img, i_label, i_rt, i_lr
    wid = lax.axis_index("c") * 16 + lax.axis_index("s")
    ub = pl.multiple_of(wid * S, 8)

    pltpu.sync_copy(keys_hbm.at[pl.ds(ub, S)], kv)
    pltpu.async_copy(pmap_hbm.at[kv], vstar, sem_a).wait()
    g2 = pltpu.async_copy(y_hbm.at[vstar], yv, sem_b)
    for t in range(S // L):
        zv[pl.ds(t * L, L)] = jnp.zeros((L,), jnp.int32)
    g2.wait()
    s2 = pltpu.async_copy(yv, o_label.at[kv], sem_b)
    s3 = pltpu.async_copy(zv, o_rt.at[kv], sem_b)
    s4 = pltpu.async_copy(zv, o_lr.at[kv], sem_b)

    bufs = (rows0, rows1)
    kcs = (kc0, kc1)
    ssems = (sem_s0, sem_s1)
    pend = [None, None]
    for c in range(NUC):
        b = c % 2
        if pend[b] is not None:
            pend[b].wait()
        pltpu.async_copy(keys_hbm.at[pl.ds(ub + c * UCH, UCH)], kcs[b], sem_a).wait()
        pltpu.async_copy(x_hbm.at[vstar.at[pl.ds(c * UCH, UCH)]], bufs[b], sem_a).wait()
        pend[b] = pltpu.async_copy(bufs[b], o_img.at[kcs[b]], ssems[b])
    for p in pend:
        if p is not None:
            p.wait()
    s2.wait()
    s3.wait()
    s4.wait()


@functools.cache
def _build():
    i32 = jnp.int32
    GRID = 25
    RB = M // GRID
    copy_tc = pl.pallas_call(
        _tc_copy_body,
        out_shape=(
            jax.ShapeDtypeStruct((M, D), jnp.float32),
            jax.ShapeDtypeStruct((100, 1000), i32),
            jax.ShapeDtypeStruct((100, 1000), i32),
            jax.ShapeDtypeStruct((100, 1000), i32),
        ),
        grid=(GRID,),
        in_specs=[
            pl.BlockSpec((RB, D), lambda i: (i, 0)),
            pl.BlockSpec((100, 1000), lambda i: (0, 0)),
            pl.BlockSpec((100, 1000), lambda i: (0, 0)),
            pl.BlockSpec((100, 1000), lambda i: (0, 0)),
        ],
        out_specs=(
            pl.BlockSpec((RB, D), lambda i: (i, 0)),
            pl.BlockSpec((100, 1000), lambda i: (0, 0)),
            pl.BlockSpec((100, 1000), lambda i: (0, 0)),
            pl.BlockSpec((100, 1000), lambda i: (0, 0)),
        ),
    )
    mesh = plsc.VectorSubcoreMesh(core_axis_name="c", subcore_axis_name="s")
    apply_ = _mpmd._mpmd_map(
        [(mesh, _apply_body)],
        (jax.ShapeDtypeStruct((M, D), jnp.float32),
         jax.ShapeDtypeStruct((M,), i32),
         jax.ShapeDtypeStruct((M,), i32),
         jax.ShapeDtypeStruct((M,), i32)),
        input_output_aliases={0: 0, 1: 1, 2: 2, 3: 3},
        scratch_types=[
            pltpu.VMEM((S,), i32),
            pltpu.VMEM((S,), i32),
            pltpu.VMEM((S,), i32),
            pltpu.VMEM((S,), i32),
            pltpu.VMEM((UCH,), i32),
            pltpu.VMEM((UCH,), i32),
            pltpu.VMEM((UCH, D), jnp.float32),
            pltpu.VMEM((UCH, D), jnp.float32),
            pltpu.SemaphoreType.DMA,
            pltpu.SemaphoreType.DMA,
            pltpu.SemaphoreType.DMA,
            pltpu.SemaphoreType.DMA,
        ],
    )
    return copy_tc, apply_


def kernel(buffer_img, buffer_label, buffer_replay_times, buffer_last_replay,
           idx_keys, idx_vals, x, y):
    copy_tc, apply_ = _build()
    i32 = jnp.int32
    ki = idx_keys.astype(i32)
    vi = idx_vals.astype(i32)
    pmap = jnp.zeros((M,), i32).at[ki].set(vi)
    img0, label0, rt0, lr0 = copy_tc(
        buffer_img,
        buffer_label.astype(i32).reshape(100, 1000),
        buffer_replay_times.astype(i32).reshape(100, 1000),
        buffer_last_replay.astype(i32).reshape(100, 1000),
    )
    return apply_(img0, label0.reshape(M), rt0.reshape(M), lr0.reshape(M),
                  pmap, ki, x, y.astype(i32))

# --- scband reference (transcript-rebuilt; emitter-appended) ---
"""Pipeline reference for scband-buffer-36696200577596 (READ-ONLY COPY).

The authoritative reference and input builder live on the scoring server;
editing this copy changes nothing except your own understanding.
"""

import jax, jax.numpy as jnp
import numpy as np


def setup_inputs(seed: int = 0) -> dict:
    key = jax.random.key(seed)
    ks = jax.random.split(key, 8)
    M, d, B = 100000, 128, 16384
    buffer_img = jax.random.normal(ks[0], (M, d), dtype=jnp.float32)
    buffer_label = jax.random.randint(ks[1], (M,), 0, 100, dtype=jnp.int64)
    buffer_replay_times = jax.random.randint(ks[2], (M,), 0, 50, dtype=jnp.int64)
    buffer_last_replay = jax.random.randint(ks[3], (M,), 0, 50, dtype=jnp.int64)
    idx_keys = jax.random.randint(ks[4], (B,), 0, M, dtype=jnp.int64)
    idx_vals = jax.random.randint(ks[5], (B,), 0, B, dtype=jnp.int64)
    x = jax.random.normal(ks[6], (B, d), dtype=jnp.float32)
    y = jax.random.randint(ks[7], (B,), 0, 100, dtype=jnp.int64)
    return {
        'buffer_img': buffer_img,
        'buffer_label': buffer_label,
        'buffer_replay_times': buffer_replay_times,
        'buffer_last_replay': buffer_last_replay,
        'idx_keys': idx_keys,
        'idx_vals': idx_vals,
        'x': x,
        'y': y,
    }


def reference(buffer_img, buffer_label, buffer_replay_times, buffer_last_replay,
              idx_keys, idx_vals, x, y):
    # Faithful translation of Buffer.overwrite(idx_map, x, y):
    #   for i in idx_map.keys():
    #       buffer_replay_times[i] = 0; buffer_last_replay[i] = 0
    #   buffer_img[keys]   = x[values]
    #   buffer_label[keys] = y[values]
    new_replay_times = buffer_replay_times.at[idx_keys].set(0)
    new_last_replay = buffer_last_replay.at[idx_keys].set(0)
    gathered_x = jnp.take(x, idx_vals, axis=0)
    gathered_y = jnp.take(y, idx_vals, axis=0)
    new_img = buffer_img.at[idx_keys].set(gathered_x)
    new_label = buffer_label.at[idx_keys].set(gathered_y)
    return (new_img, new_label, new_replay_times, new_last_replay)

if __name__ == "__main__":
    import jax
    _d = setup_inputs()
    print(jax.jit(kernel)(*tuple(_d.values())))

</pallas_src>

<mosaic_0001>
#map = affine_map<(d0, d1) -> (0, 0)>
#map1 = affine_map<(d0, d1) -> (0)>
module attributes {stable_mosaic.version = 14 : i64} {
  func.func @_apply_body(%arg0: i32, %arg1: i32, %arg2: memref<100000x128xf32, #tpu.memory_space<hbm>>, %arg3: memref<100000xi32, #tpu.memory_space<hbm>>, %arg4: memref<100000xi32, #tpu.memory_space<hbm>>, %arg5: memref<100000xi32, #tpu.memory_space<hbm>>, %arg6: memref<100000xi32, #tpu.memory_space<hbm>>, %arg7: memref<16384xi32, #tpu.memory_space<hbm>>, %arg8: memref<16384x128xf32, #tpu.memory_space<hbm>>, %arg9: memref<16384xi32, #tpu.memory_space<hbm>>, %arg10: memref<100000x128xf32, #tpu.memory_space<hbm>>, %arg11: memref<100000xi32, #tpu.memory_space<hbm>>, %arg12: memref<100000xi32, #tpu.memory_space<hbm>>, %arg13: memref<100000xi32, #tpu.memory_space<hbm>>, %arg14: memref<512xi32, #tpu.memory_space<vmem>>, %arg15: memref<512xi32, #tpu.memory_space<vmem>>, %arg16: memref<512xi32, #tpu.memory_space<vmem>>, %arg17: memref<512xi32, #tpu.memory_space<vmem>>, %arg18: memref<128xi32, #tpu.memory_space<vmem>>, %arg19: memref<128xi32, #tpu.memory_space<vmem>>, %arg20: memref<128x128xf32, #tpu.memory_space<vmem>>, %arg21: memref<128x128xf32, #tpu.memory_space<vmem>>, %arg22: memref<!tpu.dma_semaphore, #tpu.memory_space<semaphore_mem>>, %arg23: memref<!tpu.dma_semaphore, #tpu.memory_space<semaphore_mem>>, %arg24: memref<!tpu.dma_semaphore, #tpu.memory_space<semaphore_mem>>, %arg25: memref<!tpu.dma_semaphore, #tpu.memory_space<semaphore_mem>>) attributes {dimension_semantics = [#tpu.dimension_semantics<core_parallel>, #tpu.dimension_semantics<subcore_parallel>], iteration_bounds = array<i64: 2, 16>, scalar_prefetch = 0 : i64, scratch_operands = 12 : i64, tpu.core_type = #tpu.core_type<sc_vector_subcore>, window_params = [{transform_indices = #map}, {transform_indices = #map1}, {transform_indices = #map1}, {transform_indices = #map1}, {transform_indices = #map1}, {transform_indices = #map1}, {transform_indices = #map}, {transform_indices = #map1}, {transform_indices = #map}, {transform_indices = #map1}, {transform_indices = #map1}, {transform_indices = #map1}]} {
    %mul3A = arith.constant 16 : i32
    %mul3A_0 = arith.muli %arg0, %mul3A : i32
    %add3A = arith.addi %mul3A_0, %arg1 : i32
    %mul3A_1 = arith.constant 512 : i32
    %mul3A_2 = arith.muli %add3A, %mul3A_1 : i32
    %multiple_of3A = tpu.assume_multiple %mul3A_2, 8 : i32
    "tpu.region"() ({
      %run_scoped3A = tpu.sem_alloc : memref<!tpu.dma_semaphore, #tpu.memory_space<semaphore_mem>>
      %dma_start3A_299 = tpu.memref_slice %arg7[%multiple_of3A] : memref<16384xi32, #tpu.memory_space<hbm>> -> memref<512xi32, #tpu.memory_space<hbm>>
      %dma_start3A_300 = tpu.memref_slice %arg7[%multiple_of3A] : memref<16384xi32, #tpu.memory_space<hbm>> -> memref<512xi32, #tpu.memory_space<hbm>>
      tpu.enqueue_dma source(%dma_start3A_300 : memref<512xi32, #tpu.memory_space<hbm>>) target(%arg14 : memref<512xi32, #tpu.memory_space<vmem>>) target_semaphore(%run_scoped3A : memref<!tpu.dma_semaphore, #tpu.memory_space<semaphore_mem>>)
      %dma_wait3A_301 = tpu.memref_slice %arg7[%multiple_of3A] : memref<16384xi32, #tpu.memory_space<hbm>> -> memref<512xi32, #tpu.memory_space<hbm>>
      %dma_wait3A_302 = tpu.memref_slice %arg7[%multiple_of3A] : memref<16384xi32, #tpu.memory_space<hbm>> -> memref<512xi32, #tpu.memory_space<hbm>>
      tpu.wait_dma2 semaphore(%run_scoped3A : memref<!tpu.dma_semaphore, #tpu.memory_space<semaphore_mem>>) src(%dma_wait3A_302 : memref<512xi32, #tpu.memory_space<hbm>>) dst(%arg14 : memref<512xi32, #tpu.memory_space<vmem>>)
      tpu.yield
    }) : () -> ()
    %dma_start3A = arith.constant 0 : i32
    %dma_start3A_3 = tpu.memref_slice %arg6[%dma_start3A] : memref<100000xi32, #tpu.memory_space<hbm>> -> memref<100000xi32, #tpu.memory_space<hbm>>
    tpu.enqueue_indirect_dma source(%dma_start3A_3 : memref<100000xi32, #tpu.memory_space<hbm>>) target(%arg15 : memref<512xi32, #tpu.memory_space<vmem>>) offsets(%arg14 : memref<512xi32, #tpu.memory_space<vmem>>) semaphore(%arg22 : memref<!tpu.dma_semaphore, #tpu.memory_space<semaphore_mem>>)
    %dma_wait3A = arith.constant 0 : i32
    %dma_wait3A_4 = tpu.memref_slice %arg6[%dma_wait3A] : memref<100000xi32, #tpu.memory_space<hbm>> -> memref<100000xi32, #tpu.memory_space<hbm>>
    tpu.wait_indirect_dma semaphore(%arg22 : memref<!tpu.dma_semaphore, #tpu.memory_space<semaphore_mem>>) src(%dma_wait3A_4 : memref<100000xi32, #tpu.memory_space<hbm>>) dst(%arg15 : memref<512xi32, #tpu.memory_space<vmem>>)
    %dma_start3A_5 = arith.constant 0 : i32
    %dma_start3A_6 = tpu.memref_slice %arg9[%dma_start3A_5] : memref<16384xi32, #tpu.memory_space<hbm>> -> memref<16384xi32, #tpu.memory_space<hbm>>
    tpu.enqueue_indirect_dma source(%dma_start3A_6 : memref<16384xi32, #tpu.memory_space<hbm>>) target(%arg16 : memref<512xi32, #tpu.memory_space<vmem>>) offsets(%arg15 : memref<512xi32, #tpu.memory_space<vmem>>) semaphore(%arg23 : memref<!tpu.dma_semaphore, #tpu.memory_space<semaphore_mem>>)
    %broadcast_in_dim3A = arith.constant 0 : i32
    %broadcast_in_dim3A_7 = vector.broadcast %broadcast_in_dim3A : i32 to vector<16xi32>
    %swap3A = arith.constant 0 : index
    %swap3A_8 = tpu.vector_load %arg17[%swap3A] {strides = array<i32>} : memref<512xi32, #tpu.memory_space<vmem>>, vector<16xi32>,
    %swap3A_9 = vector.shape_cast %swap3A_8 : vector<16xi32> to vector<16xi32>
    %swap3A_10 = vector.shape_cast %broadcast_in_dim3A_7 : vector<16xi32> to vector<16xi32>
    tpu.vector_store %arg17[%swap3A], %swap3A_10 {strides = array<i32>} : memref<512xi32, #tpu.memory_space<vmem>>, vector<16xi32>,
    %broadcast_in_dim3A_11 = arith.constant 0 : i32
    %broadcast_in_dim3A_12 = vector.broadcast %broadcast_in_dim3A_11 : i32 to vector<16xi32>
    %swap3A_13 = arith.constant 16 : index
    %swap3A_14 = tpu.vector_load %arg17[%swap3A_13] {strides = array<i32>} : memref<512xi32, #tpu.memory_space<vmem>>, vector<16xi32>,
    %swap3A_15 = vector.shape_cast %swap3A_14 : vector<16xi32> to vector<16xi32>
    %swap3A_16 = vector.shape_cast %broadcast_in_dim3A_12 : vector<16xi32> to vector<16xi32>
    tpu.vector_store %arg17[%swap3A_13], %swap3A_16 {strides = array<i32>} : memref<512xi32, #tpu.memory_space<vmem>>, vector<16xi32>,
    %broadcast_in_dim3A_17 = arith.constant 0 : i32
    %broadcast_in_dim3A_18 = vector.broadcast %broadcast_in_dim3A_17 : i32 to vector<16xi32>
    %swap3A_19 = arith.constant 32 : index
    %swap3A_20 = tpu.vector_load %arg17[%swap3A_19] {strides = array<i32>} : memref<512xi32, #tpu.memory_space<vmem>>, vector<16xi32>,
    %swap3A_21 = vector.shape_cast %swap3A_20 : vector<16xi32> to vector<16xi32>
    %swap3A_22 = vector.shape_cast %broadcast_in_dim3A_18 : vector<16xi32> to vector<16xi32>
    tpu.vector_store %arg17[%swap3A_19], %swap3A_22 {strides = array<i32>} : memref<512xi32, #tpu.memory_space<vmem>>, vector<16xi32>,
    %broadcast_in_dim3A_23 = arith.constant 0 : i32
    %broadcast_in_dim3A_24 = vector.broadcast %broadcast_in_dim3A_23 : i32 to vector<16xi32>
    %swap3A_25 = arith.constant 48 : index
    %swap3A_26 = tpu.vector_load %arg17[%swap3A_25] {strides = array<i32>} : memref<512xi32, #tpu.memory_space<vmem>>, vector<16xi32>,
    %swap3A_27 = vector.shape_cast %swap3A_26 : vector<16xi32> to vector<16xi32>
    %swap3A_28 = vector.shape_cast %broadcast_in_dim3A_24 : vector<16xi32> to vector<16xi32>
    tpu.vector_store %arg17[%swap3A_25], %swap3A_28 {strides = array<i32>} : memref<512xi32, #tpu.memory_space<vmem>>, vector<16xi32>,
    %broadcast_in_dim3A_29 = arith.constant 0 : i32
    %broadcast_in_dim3A_30 = vector.broadcast %broadcast_in_dim3A_29 : i32 to vector<16xi32>
    %swap3A_31 = arith.constant 64 : index
    %swap3A_32 = tpu.vector_load %arg17[%swap3A_31] {strides = array<i32>} : memref<512xi32, #tpu.memory_space<vmem>>, vector<16xi32>,
    %swap3A_33 = vector.shape_cast %swap3A_32 : vector<16xi32> to vector<16xi32>
    %swap3A_34 = vector.shape_cast %broadcast_in_dim3A_30 : vector<16xi32> to vector<16xi32>
    tpu.vector_store %arg17[%swap3A_31], %swap3A_34 {strides = array<i32>} : memref<512xi32, #tpu.memory_space<vmem>>, vector<16xi32>,
    %broadcast_in_dim3A_35 = arith.constant 0 : i32
    %broadcast_in_dim3A_36 = vector.broadcast %broadcast_in_dim3A_35 : i32 to vector<16xi32>
    %swap3A_37 = arith.constant 80 : index
    %swap3A_38 = tpu.vector_load %arg17[%swap3A_37] {strides = array<i32>} : memref<512xi32, #tpu.memory_space<vmem>>, vector<16xi32>,
    %swap3A_39 = vector.shape_cast %swap3A_38 : vector<16xi32> to vector<16xi32>
    %swap3A_40 = vector.shape_cast %broadcast_in_dim3A_36 : vector<16xi32> to vector<16xi32>
    tpu.vector_store %arg17[%swap3A_37], %swap3A_40 {strides = array<i32>} : memref<512xi32, #tpu.memory_space<vmem>>, vector<16xi32>,
    %broadcast_in_dim3A_41 = arith.constant 0 : i32
    %broadcast_in_dim3A_42 = vector.broadcast %broadcast_in_dim3A_41 : i32 to vector<16xi32>
    %swap3A_43 = arith.constant 96 : index
    %swap3A_44 = tpu.vector_load %arg17[%swap3A_43] {strides = array<i32>} : memref<512xi32, #tpu.memory_space<vmem>>, vector<16xi32>,
    %swap3A_45 = vector.shape_cast %swap3A_44 : vector<16xi32> to vector<16xi32>
    %swap3A_46 = vector.shape_cast %broadcast_in_dim3A_42 : vector<16xi32> to vector<16xi32>
    tpu.vector_store %arg17[%swap3A_43], %swap3A_46 {strides = array<i32>} : memref<512xi32, #tpu.memory_space<vmem>>, vector<16xi32>,
    %broadcast_in_dim3A_47 = arith.constant 0 : i32
    %broadcast_in_dim3A_48 = vector.broadcast %broadcast_in_dim3A_47 : i32 to vector<16xi32>
    %swap3A_49 = arith.constant 112 : index
    %swap3A_50 = tpu.vector_load %arg17[%swap3A_49] {strides = array<i32>} : memref<512xi32, #tpu.memory_space<vmem>>, vector<16xi32>,
    %swap3A_51 = vector.shape_cast %swap3A_50 : vector<16xi32> to vector<16xi32>
    %swap3A_52 = vector.shape_cast %broadcast_in_dim3A_48 : vector<16xi32> to vector<16xi32>
    tpu.vector_store %arg17[%swap3A_49], %swap3A_52 {strides = array<i32>} : memref<512xi32, #tpu.memory_space<vmem>>, vector<16xi32>,
    %broadcast_in_dim3A_53 = arith.constant 0 : i32
    %broadcast_in_dim3A_54 = vector.broadcast %broadcast_in_dim3A_53 : i32 to vector<16xi32>
    %swap3A_55 = arith.constant 128 : index
    %swap3A_56 = tpu.vector_load %arg17[%swap3A_55] {strides = array<i32>} : memref<512xi32, #tpu.memory_space<vmem>>, vector<16xi32>,
    %swap3A_57 = vector.shape_cast %swap3A_56 : vector<16xi32> to vector<16xi32>
    %swap3A_58 = vector.shape_cast %broadcast_in_dim3A_54 : vector<16xi32> to vector<16xi32>
    tpu.vector_store %arg17[%swap3A_55], %swap3A_58 {strides = array<i32>} : memref<512xi32, #tpu.memory_space<vmem>>, vector<16xi32>,
    %broadcast_in_dim3A_59 = arith.constant 0 : i32
    %broadcast_in_dim3A_60 = vector.broadcast %broadcast_in_dim3A_59 : i32 to vector<16xi32>
    %swap3A_61 = arith.constant 144 : index
    %swap3A_62 = tpu.vector_load %arg17[%swap3A_61] {strides = array<i32>} : memref<512xi32, #tpu.memory_space<vmem>>, vector<16xi32>,
    %swap3A_63 = vector.shape_cast %swap3A_62 : vector<16xi32> to vector<16xi32>
    %swap3A_64 = vector.shape_cast %broadcast_in_dim3A_60 : vector<16xi32> to vector<16xi32>
    tpu.vector_store %arg17[%swap3A_61], %swap3A_64 {strides = array<i32>} : memref<512xi32, #tpu.memory_space<vmem>>, vector<16xi32>,
    %broadcast_in_dim3A_65 = arith.constant 0 : i32
    %broadcast_in_dim3A_66 = vector.broadcast %broadcast_in_dim3A_65 : i32 to vector<16xi32>
    %swap3A_67 = arith.constant 160 : index
    %swap3A_68 = tpu.vector_load %arg17[%swap3A_67] {strides = array<i32>} : memref<512xi32, #tpu.memory_space<vmem>>, vector<16xi32>,
    %swap3A_69 = vector.shape_cast %swap3A_68 : vector<16xi32> to vector<16xi32>
    %swap3A_70 = vector.shape_cast %broadcast_in_dim3A_66 : vector<16xi32> to vector<16xi32>
    tpu.vector_store %arg17[%swap3A_67], %swap3A_70 {strides = array<i32>} : memref<512xi32, #tpu.memory_space<vmem>>, vector<16xi32>,
    %broadcast_in_dim3A_71 = arith.constant 0 : i32
    %broadcast_in_dim3A_72 = vector.broadcast %broadcast_in_dim3A_71 : i32 to vector<16xi32>
    %swap3A_73 = arith.constant 176 : index
    %swap3A_74 = tpu.vector_load %arg17[%swap3A_73] {strides = array<i32>} : memref<512xi32, #tpu.memory_space<vmem>>, vector<16xi32>,
    %swap3A_75 = vector.shape_cast %swap3A_74 : vector<16xi32> to vector<16xi32>
    %swap3A_76 = vector.shape_cast %broadcast_in_dim3A_72 : vector<16xi32> to vector<16xi32>
    tpu.vector_store %arg17[%swap3A_73], %swap3A_76 {strides = array<i32>} : memref<512xi32, #tpu.memory_space<vmem>>, vector<16xi32>,
    %broadcast_in_dim3A_77 = arith.constant 0 : i32
    %broadcast_in_dim3A_78 = vector.broadcast %broadcast_in_dim3A_77 : i32 to vector<16xi32>
    %swap3A_79 = arith.constant 192 : index
    %swap3A_80 = tpu.vector_load %arg17[%swap3A_79] {strides = array<i32>} : memref<512xi32, #tpu.memory_space<vmem>>, vector<16xi32>,
    %swap3A_81 = vector.shape_cast %swap3A_80 : vector<16xi32> to vector<16xi32>
    %swap3A_82 = vector.shape_cast %broadcast_in_dim3A_78 : vector<16xi32> to vector<16xi32>
    tpu.vector_store %arg17[%swap3A_79], %swap3A_82 {strides = array<i32>} : memref<512xi32, #tpu.memory_space<vmem>>, vector<16xi32>,
    %broadcast_in_dim3A_83 = arith.constant 0 : i32
    %broadcast_in_dim3A_84 = vector.broadcast %broadcast_in_dim3A_83 : i32 to vector<16xi32>
    %swap3A_85 = arith.constant 208 : index
    %swap3A_86 = tpu.vector_load %arg17[%swap3A_85] {strides = array<i32>} : memref<512xi32, #tpu.memory_space<vmem>>, vector<16xi32>,
    %swap3A_87 = vector.shape_cast %swap3A_86 : vector<16xi32> to vector<16xi32>
    %swap3A_88 = vector.shape_cast %broadcast_in_dim3A_84 : vector<16xi32> to vector<16xi32>
    tpu.vector_store %arg17[%swap3A_85], %swap3A_88 {strides = array<i32>} : memref<512xi32, #tpu.memory_space<vmem>>, vector<16xi32>,
    %broadcast_in_dim3A_89 = arith.constant 0 : i32
    %broadcast_in_dim3A_90 = vector.broadcast %broadcast_in_dim3A_89 : i32 to vector<16xi32>
    %swap3A_91 = arith.constant 224 : index
    %swap3A_92 = tpu.vector_load %arg17[%swap3A_91] {strides = array<i32>} : memref<512xi32, #tpu.memory_space<vmem>>, vector<16xi32>,
    %swap3A_93 = vector.shape_cast %swap3A_92 : vector<16xi32> to vector<16xi32>
    %swap3A_94 = vector.shape_cast %broadcast_in_dim3A_90 : vector<16xi32> to vector<16xi32>
    tpu.vector_store %arg17[%swap3A_91], %swap3A_94 {strides = array<i32>} : memref<512xi32, #tpu.memory_space<vmem>>, vector<16xi32>,
    %broadcast_in_dim3A_95 = arith.constant 0 : i32
    %broadcast_in_dim3A_96 = vector.broadcast %broadcast_in_dim3A_95 : i32 to vector<16xi32>
    %swap3A_97 = arith.constant 240 : index
    %swap3A_98 = tpu.vector_load %arg17[%swap3A_97] {strides = array<i32>} : memref<512xi32, #tpu.memory_space<vmem>>, vector<16xi32>,
    %swap3A_99 = vector.shape_cast %swap3A_98 : vector<16xi32> to vector<16xi32>
    %swap3A_100 = vector.shape_cast %broadcast_in_dim3A_96 : vector<16xi32> to vector<16xi32>
    tpu.vector_store %arg17[%swap3A_97], %swap3A_100 {strides = array<i32>} : memref<512xi32, #tpu.memory_space<vmem>>, vector<16xi32>,
    %broadcast_in_dim3A_101 = arith.constant 0 : i32
    %broadcast_in_dim3A_102 = vector.broadcast %broadcast_in_dim3A_101 : i32 to vector<16xi32>
    %swap3A_103 = arith.constant 256 : index
    %swap3A_104 = tpu.vector_load %arg17[%swap3A_103] {strides = array<i32>} : memref<512xi32, #tpu.memory_space<vmem>>, vector<16xi32>,
    %swap3A_105 = vector.shape_cast %swap3A_104 : vector<16xi32> to vector<16xi32>
    %swap3A_106 = vector.shape_cast %broadcast_in_dim3A_102 : vector<16xi32> to vector<16xi32>
    tpu.vector_store %arg17[%swap3A_103], %swap3A_106 {strides = array<i32>} : memref<512xi32, #tpu.memory_space<vmem>>, vector<16xi32>,
    %broadcast_in_dim3A_107 = arith.constant 0 : i32
    %broadcast_in_dim3A_108 = vector.broadcast %broadcast_in_dim3A_107 : i32 to vector<16xi32>
    %swap3A_109 = arith.constant 272 : index
    %swap3A_110 = tpu.vector_load %arg17[%swap3A_109] {strides = array<i32>} : memref<512xi32, #tpu.memory_space<vmem>>, vector<16xi32>,
    %swap3A_111 = vector.shape_cast %swap3A_110 : vector<16xi32> to vector<16xi32>
    %swap3A_112 = vector.shape_cast %broadcast_in_dim3A_108 : vector<16xi32> to vector<16xi32>
    tpu.vector_store %arg17[%swap3A_109], %swap3A_112 {strides = array<i32>} : memref<512xi32, #tpu.memory_space<vmem>>, vector<16xi32>,
    %broadcast_in_dim3A_113 = arith.constant 0 : i32
    %broadcast_in_dim3A_114 = vector.broadcast %broadcast_in_dim3A_113 : i32 to vector<16xi32>
    %swap3A_115 = arith.constant 288 : index
    %swap3A_116 = tpu.vector_load %arg17[%swap3A_115] {strides = array<i32>} : memref<512xi32, #tpu.memory_space<vmem>>, vector<16xi32>,
    %swap3A_117 = vector.shape_cast %swap3A_116 : vector<16xi32> to vector<16xi32>
    %swap3A_118 = vector.shape_cast %broadcast_in_dim3A_114 : vector<16xi32> to vector<16xi32>
    tpu.vector_store %arg17[%swap3A_115], %swap3A_118 {strides = array<i32>} : memref<512xi32, #tpu.memory_space<vmem>>, vector<16xi32>,
    %broadcast_in_dim3A_119 = arith.constant 0 : i32
    %broadcast_in_dim3A_120 = vector.broadcast %broadcast_in_dim3A_119 : i32 to vector<16xi32>
    %swap3A_121 = arith.constant 304 : index
    %swap3A_122 = tpu.vector_load %arg17[%swap3A_121] {strides = array<i32>} : memref<512xi32, #tpu.memory_space<vmem>>, vector<16xi32>,
    %swap3A_123 = vector.shape_cast %swap3A_122 : vector<16xi32> to vector<16xi32>
    %swap3A_124 = vector.shape_cast %broadcast_in_dim3A_120 : vector<16xi32> to vector<16xi32>
    tpu.vector_store %arg17[%swap3A_121], %swap3A_124 {strides = array<i32>} : memref<512xi32, #tpu.memory_space<vmem>>, vector<16xi32>,
    %broadcast_in_dim3A_125 = arith.constant 0 : i32
    %broadcast_in_dim3A_126 = vector.broadcast %broadcast_in_dim3A_125 : i32 to vector<16xi32>
    %swap3A_127 = arith.constant 320 : index
    %swap3A_128 = tpu.vector_load %arg17[%swap3A_127] {strides = array<i32>} : memref<512xi32, #tpu.memory_space<vmem>>, vector<16xi32>,
    %swap3A_129 = vector.shape_cast %swap3A_128 : vector<16xi32> to vector<16xi32>
    %swap3A_130 = vector.shape_cast %broadcast_in_dim3A_126 : vector<16xi32> to vector<16xi32>
    tpu.vector_store %arg17[%swap3A_127], %swap3A_130 {strides = array<i32>} : memref<512xi32, #tpu.memory_space<vmem>>, vector<16xi32>,
    %broadcast_in_dim3A_131 = arith.constant 0 : i32
    %broadcast_in_dim3A_132 = vector.broadcast %broadcast_in_dim3A_131 : i32 to vector<16xi32>
    %swap3A_133 = arith.constant 336 : index
    %swap3A_134 = tpu.vector_load %arg17[%swap3A_133] {strides = array<i32>} : memref<512xi32, #tpu.memory_space<vmem>>, vector<16xi32>,
    %swap3A_135 = vector.shape_cast %swap3A_134 : vector<16xi32> to vector<16xi32>
    %swap3A_136 = vector.shape_cast %broadcast_in_dim3A_132 : vector<16xi32> to vector<16xi32>
    tpu.vector_store %arg17[%swap3A_133], %swap3A_136 {strides = array<i32>} : memref<512xi32, #tpu.memory_space<vmem>>, vector<16xi32>,
    %broadcast_in_dim3A_137 = arith.constant 0 : i32
    %broadcast_in_dim3A_138 = vector.broadcast %broadcast_in_dim3A_137 : i32 to vector<16xi32>
    %swap3A_139 = arith.constant 352 : index
    %swap3A_140 = tpu.vector_load %arg17[%swap3A_139] {strides = array<i32>} : memref<512xi32, #tpu.memory_space<vmem>>, vector<16xi32>,
    %swap3A_141 = vector.shape_cast %swap3A_140 : vector<16xi32> to vector<16xi32>
    %swap3A_142 = vector.shape_cast %broadcast_in_dim3A_138 : vector<16xi32> to vector<16xi32>
    tpu.vector_store %arg17[%swap3A_139], %swap3A_142 {strides = array<i32>} : memref<512xi32, #tpu.memory_space<vmem>>, vector<16xi32>,
    %broadcast_in_dim3A_143 = arith.constant 0 : i32
    %broadcast_in_dim3A_144 = vector.broadcast %broadcast_in_dim3A_143 : i32 to vector<16xi32>
    %swap3A_145 = arith.constant 368 : index
    %swap3A_146 = tpu.vector_load %arg17[%swap3A_145] {strides = array<i32>} : memref<512xi32, #tpu.memory_space<vmem>>, vector<16xi32>,
    %swap3A_147 = vector.shape_cast %swap3A_146 : vector<16xi32> to vector<16xi32>
    %swap3A_148 = vector.shape_cast %broadcast_in_dim3A_144 : vector<16xi32> to vector<16xi32>
    tpu.vector_store %arg17[%swap3A_145], %swap3A_148 {strides = array<i32>} : memref<512xi32, #tpu.memory_space<vmem>>, vector<16xi32>,
    %broadcast_in_dim3A_149 = arith.constant 0 : i32
    %broadcast_in_dim3A_150 = vector.broadcast %broadcast_in_dim3A_149 : i32 to vector<16xi32>
    %swap3A_151 = arith.constant 384 : index
    %swap3A_152 = tpu.vector_load %arg17[%swap3A_151] {strides = array<i32>} : memref<512xi32, #tpu.memory_space<vmem>>, vector<16xi32>,
    %swap3A_153 = vector.shape_cast %swap3A_152 : vector<16xi32> to vector<16xi32>
    %swap3A_154 = vector.shape_cast %broadcast_in_dim3A_150 : vector<16xi32> to vector<16xi32>
    tpu.vector_store %arg17[%swap3A_151], %swap3A_154 {strides = array<i32>} : memref<512xi32, #tpu.memory_space<vmem>>, vector<16xi32>,
    %broadcast_in_dim3A_155 = arith.constant 0 : i32
    %broadcast_in_dim3A_156 = vector.broadcast %broadcast_in_dim3A_155 : i32 to vector<16xi32>
    %swap3A_157 = arith.constant 400 : index
    %swap3A_158 = tpu.vector_load %arg17[%swap3A_157] {strides = array<i32>} : memref<512xi32, #tpu.memory_space<vmem>>, vector<16xi32>,
    %swap3A_159 = vector.shape_cast %swap3A_158 : vector<16xi32> to vector<16xi32>
    %swap3A_160 = vector.shape_cast %broadcast_in_dim3A_156 : vector<16xi32> to vector<16xi32>
    tpu.vector_store %arg17[%swap3A_157], %swap3A_160 {strides = array<i32>} : memref<512xi32, #tpu.memory_space<vmem>>, vector<16xi32>,
    %broadcast_in_dim3A_161 = arith.constant 0 : i32
    %broadcast_in_dim3A_162 = vector.broadcast %broadcast_in_dim3A_161 : i32 to vector<16xi32>
    %swap3A_163 = arith.constant 416 : index
    %swap3A_164 = tpu.vector_load %arg17[%swap3A_163] {strides = array<i32>} : memref<512xi32, #tpu.memory_space<vmem>>, vector<16xi32>,
    %swap3A_165 = vector.shape_cast %swap3A_164 : vector<16xi32> to vector<16xi32>
    %swap3A_166 = vector.shape_cast %broadcast_in_dim3A_162 : vector<16xi32> to vector<16xi32>
    tpu.vector_store %arg17[%swap3A_163], %swap3A_166 {strides = array<i32>} : memref<512xi32, #tpu.memory_space<vmem>>, vector<16xi32>,
    %broadcast_in_dim3A_167 = arith.constant 0 : i32
    %broadcast_in_dim3A_168 = vector.broadcast %broadcast_in_dim3A_167 : i32 to vector<16xi32>
    %swap3A_169 = arith.constant 432 : index
    %swap3A_170 = tpu.vector_load %arg17[%swap3A_169] {strides = array<i32>} : memref<512xi32, #tpu.memory_space<vmem>>, vector<16xi32>,
    %swap3A_171 = vector.shape_cast %swap3A_170 : vector<16xi32> to vector<16xi32>
    %swap3A_172 = vector.shape_cast %broadcast_in_dim3A_168 : vector<16xi32> to vector<16xi32>
    tpu.vector_store %arg17[%swap3A_169], %swap3A_172 {strides = array<i32>} : memref<512xi32, #tpu.memory_space<vmem>>, vector<16xi32>,
    %broadcast_in_dim3A_173 = arith.constant 0 : i32
    %broadcast_in_dim3A_174 = vector.broadcast %broadcast_in_dim3A_173 : i32 to vector<16xi32>
    %swap3A_175 = arith.constant 448 : index
    %swap3A_176 = tpu.vector_load %arg17[%swap3A_175] {strides = array<i32>} : memref<512xi32, #tpu.memory_space<vmem>>, vector<16xi32>,
    %swap3A_177 = vector.shape_cast %swap3A_176 : vector<16xi32> to vector<16xi32>
    %swap3A_178 = vector.shape_cast %broadcast_in_dim3A_174 : vector<16xi32> to vector<16xi32>
    tpu.vector_store %arg17[%swap3A_175], %swap3A_178 {strides = array<i32>} : memref<512xi32, #tpu.memory_space<vmem>>, vector<16xi32>,
    %broadcast_in_dim3A_179 = arith.constant 0 : i32
    %broadcast_in_dim3A_180 = vector.broadcast %broadcast_in_dim3A_179 : i32 to vector<16xi32>
    %swap3A_181 = arith.constant 464 : index
    %swap3A_182 = tpu.vector_load %arg17[%swap3A_181] {strides = array<i32>} : memref<512xi32, #tpu.memory_space<vmem>>, vector<16xi32>,
    %swap3A_183 = vector.shape_cast %swap3A_182 : vector<16xi32> to vector<16xi32>
    %swap3A_184 = vector.shape_cast %broadcast_in_dim3A_180 : vector<16xi32> to vector<16xi32>
    tpu.vector_store %arg17[%swap3A_181], %swap3A_184 {strides = array<i32>} : memref<512xi32, #tpu.memory_space<vmem>>, vector<16xi32>,
    %broadcast_in_dim3A_185 = arith.constant 0 : i32
    %broadcast_in_dim3A_186 = vector.broadcast %broadcast_in_dim3A_185 : i32 to vector<16xi32>
    %swap3A_187 = arith.constant 480 : index
    %swap3A_188 = tpu.vector_load %arg17[%swap3A_187] {strides = array<i32>} : memref<512xi32, #tpu.memory_space<vmem>>, vector<16xi32>,
    %swap3A_189 = vector.shape_cast %swap3A_188 : vector<16xi32> to vector<16xi32>
    %swap3A_190 = vector.shape_cast %broadcast_in_dim3A_186 : vector<16xi32> to vector<16xi32>
    tpu.vector_store %arg17[%swap3A_187], %swap3A_190 {strides = array<i32>} : memref<512xi32, #tpu.memory_space<vmem>>, vector<16xi32>,
    %broadcast_in_dim3A_191 = arith.constant 0 : i32
    %broadcast_in_dim3A_192 = vector.broadcast %broadcast_in_dim3A_191 : i32 to vector<16xi32>
    %swap3A_193 = arith.constant 496 : index
    %swap3A_194 = tpu.vector_load %arg17[%swap3A_193] {strides = array<i32>} : memref<512xi32, #tpu.memory_space<vmem>>, vector<16xi32>,
    %swap3A_195 = vector.shape_cast %swap3A_194 : vector<16xi32> to vector<16xi32>
    %swap3A_196 = vector.shape_cast %broadcast_in_dim3A_192 : vector<16xi32> to vector<16xi32>
    tpu.vector_store %arg17[%swap3A_193], %swap3A_196 {strides = array<i32>} : memref<512xi32, #tpu.memory_space<vmem>>, vector<16xi32>,
    %dma_wait3A_197 = arith.constant 0 : i32
    %dma_wait3A_198 = tpu.memref_slice %arg9[%dma_wait3A_197] : memref<16384xi32, #tpu.memory_space<hbm>> -> memref<16384xi32, #tpu.memory_space<hbm>>
    tpu.wait_indirect_dma semaphore(%arg23 : memref<!tpu.dma_semaphore, #tpu.memory_space<semaphore_mem>>) src(%dma_wait3A_198 : memref<16384xi32, #tpu.memory_space<hbm>>) dst(%arg16 : memref<512xi32, #tpu.memory_space<vmem>>)
    %dma_start3A_199 = arith.constant 0 : i32
    %dma_start3A_200 = tpu.memref_slice %arg11[%dma_start3A_199] : memref<100000xi32, #tpu.memory_space<hbm>> -> memref<100000xi32, #tpu.memory_space<hbm>>
    tpu.enqueue_indirect_dma source(%arg16 : memref<512xi32, #tpu.memory_space<vmem>>) target(%dma_start3A_200 : memref<100000xi32, #tpu.memory_space<hbm>>) offsets(%arg14 : memref<512xi32, #tpu.memory_space<vmem>>) semaphore(%arg23 : memref<!tpu.dma_semaphore, #tpu.memory_space<semaphore_mem>>)
    %dma_start3A_201 = arith.constant 0 : i32
    %dma_start3A_202 = tpu.memref_slice %arg12[%dma_start3A_201] : memref<100000xi32, #tpu.memory_space<hbm>> -> memref<100000xi32, #tpu.memory_space<hbm>>
    tpu.enqueue_indirect_dma source(%arg17 : memref<512xi32, #tpu.memory_space<vmem>>) target(%dma_start3A_202 : memref<100000xi32, #tpu.memory_space<hbm>>) offsets(%arg14 : memref<512xi32, #tpu.memory_space<vmem>>) semaphore(%arg23 : memref<!tpu.dma_semaphore, #tpu.memory_space<semaphore_mem>>)
    %dma_start3A_203 = arith.constant 0 : i32
    %dma_start3A_204 = tpu.memref_slice %arg13[%dma_start3A_203] : memref<100000xi32, #tpu.memory_space<hbm>> -> memref<100000xi32, #tpu.memory_space<hbm>>
    tpu.enqueue_indirect_dma source(%arg17 : memref<512xi32, #tpu.memory_space<vmem>>) target(%dma_start3A_204 : memref<100000xi32, #tpu.memory_space<hbm>>) offsets(%arg14 : memref<512xi32, #tpu.memory_space<vmem>>) semaphore(%arg23 : memref<!tpu.dma_semaphore, #tpu.memory_space<semaphore_mem>>)
    %add3A_205 = arith.constant 0 : i32
    %add3A_206 = arith.addi %multiple_of3A, %add3A_205 : i32
    %dma_start3A_207 = tpu.memref_slice %arg7[%add3A_206] : memref<16384xi32, #tpu.memory_space<hbm>> -> memref<128xi32, #tpu.memory_space<hbm>>
    %dma_start3A_208 = tpu.memref_slice %arg7[%add3A_206] : memref<16384xi32, #tpu.memory_space<hbm>> -> memref<128xi32, #tpu.memory_space<hbm>>
    tpu.enqueue_dma source(%dma_start3A_208 : memref<128xi32, #tpu.memory_space<hbm>>) target(%arg18 : memref<128xi32, #tpu.memory_space<vmem>>) target_semaphore(%arg22 : memref<!tpu.dma_semaphore, #tpu.memory_space<semaphore_mem>>)
    %dma_wait3A_209 = tpu.memref_slice %arg7[%add3A_206] : memref<16384xi32, #tpu.memory_space<hbm>> -> memref<128xi32, #tpu.memory_space<hbm>>
    %dma_wait3A_210 = tpu.memref_slice %arg7[%add3A_206] : memref<16384xi32, #tpu.memory_space<hbm>> -> memref<128xi32, #tpu.memory_space<hbm>>
    tpu.wait_dma2 semaphore(%arg22 : memref<!tpu.dma_semaphore, #tpu.memory_space<semaphore_mem>>) src(%dma_wait3A_210 : memref<128xi32, #tpu.memory_space<hbm>>) dst(%arg18 : memref<128xi32, #tpu.memory_space<vmem>>)
    %dma_start3A_211 = arith.constant 0 : i32
    %dma_start3A_212 = tpu.memref_slice %arg15[%dma_start3A_211] : memref<512xi32, #tpu.memory_space<vmem>> -> memref<128xi32, #tpu.memory_space<vmem>>
    %dma_start3A_213 = arith.constant 0 : i32
    %dma_start3A_214 = arith.constant 0 : i32
    %dma_start3A_215 = tpu.memref_slice %arg8[%dma_start3A_213, %dma_start3A_214] : memref<16384x128xf32, #tpu.memory_space<hbm>> -> memref<16384x128xf32, #tpu.memory_space<hbm>>
    tpu.enqueue_indirect_dma source(%dma_start3A_215 : memref<16384x128xf32, #tpu.memory_space<hbm>>) target(%arg20 : memref<128x128xf32, #tpu.memory_space<vmem>>) offsets(%dma_start3A_212 : memref<128xi32, #tpu.memory_space<vmem>>) semaphore(%arg22 : memref<!tpu.dma_semaphore, #tpu.memory_space<semaphore_mem>>)
    %dma_wait3A_216 = arith.constant 0 : i32
    %dma_wait3A_217 = tpu.memref_slice %arg15[%dma_wait3A_216] : memref<512xi32, #tpu.memory_space<vmem>> -> memref<128xi32, #tpu.memory_space<vmem>>
    %dma_wait3A_218 = arith.constant 0 : i32
    %dma_wait3A_219 = arith.constant 0 : i32
    %dma_wait3A_220 = tpu.memref_slice %arg8[%dma_wait3A_218, %dma_wait3A_219] : memref<16384x128xf32, #tpu.memory_space<hbm>> -> memref<16384x128xf32, #tpu.memory_space<hbm>>
    tpu.wait_indirect_dma semaphore(%arg22 : memref<!tpu.dma_semaphore, #tpu.memory_space<semaphore_mem>>) src(%dma_wait3A_220 : memref<16384x128xf32, #tpu.memory_space<hbm>>) dst(%arg20 : memref<128x128xf32, #tpu.memory_space<vmem>>)
    %dma_start3A_221 = arith.constant 0 : i32
    %dma_start3A_222 = arith.constant 0 : i32
    %dma_start3A_223 = tpu.memref_slice %arg10[%dma_start3A_221, %dma_start3A_222] : memref<100000x128xf32, #tpu.memory_space<hbm>> -> memref<100000x128xf32, #tpu.memory_space<hbm>>
    tpu.enqueue_indirect_dma source(%arg20 : memref<128x128xf32, #tpu.memory_space<vmem>>) target(%dma_start3A_223 : memref<100000x128xf32, #tpu.memory_space<hbm>>) offsets(%arg18 : memref<128xi32, #tpu.memory_space<vmem>>) semaphore(%arg24 : memref<!tpu.dma_semaphore, #tpu.memory_space<semaphore_mem>>)
    %add3A_224 = arith.constant 128 : i32
    %add3A_225 = arith.addi %multiple_of3A, %add3A_224 : i32
    %dma_start3A_226 = tpu.memref_slice %arg7[%add3A_225] : memref<16384xi32, #tpu.memory_space<hbm>> -> memref<128xi32, #tpu.memory_space<hbm>>
    %dma_start3A_227 = tpu.memref_slice %arg7[%add3A_225] : memref<16384xi32, #tpu.memory_space<hbm>> -> memref<128xi32, #tpu.memory_space<hbm>>
    tpu.enqueue_dma source(%dma_start3A_227 : memref<128xi32, #tpu.memory_space<hbm>>) target(%arg19 : memref<128xi32, #tpu.memory_space<vmem>>) target_semaphore(%arg22 : memref<!tpu.dma_semaphore, #tpu.memory_space<semaphore_mem>>)
    %dma_wait3A_228 = tpu.memref_slice %arg7[%add3A_225] : memref<16384xi32, #tpu.memory_space<hbm>> -> memref<128xi32, #tpu.memory_space<hbm>>
    %dma_wait3A_229 = tpu.memref_slice %arg7[%add3A_225] : memref<16384xi32, #tpu.memory_space<hbm>> -> memref<128xi32, #tpu.memory_space<hbm>>
    tpu.wait_dma2 semaphore(%arg22 : memref<!tpu.dma_semaphore, #tpu.memory_space<semaphore_mem>>) src(%dma_wait3A_229 : memref<128xi32, #tpu.memory_space<hbm>>) dst(%arg19 : memref<128xi32, #tpu.memory_space<vmem>>)
    %dma_start3A_230 = arith.constant 128 : i32
    %dma_start3A_231 = tpu.memref_slice %arg15[%dma_start3A_230] : memref<512xi32, #tpu.memory_space<vmem>> -> memref<128xi32, #tpu.memory_space<vmem>>
    %dma_start3A_232 = arith.constant 0 : i32
    %dma_start3A_233 = arith.constant 0 : i32
    %dma_start3A_234 = tpu.memref_slice %arg8[%dma_start3A_232, %dma_start3A_233] : memref<16384x128xf32, #tpu.memory_space<hbm>> -> memref<16384x128xf32, #tpu.memory_space<hbm>>
    tpu.enqueue_indirect_dma source(%dma_start3A_234 : memref<16384x128xf32, #tpu.memory_space<hbm>>) target(%arg21 : memref<128x128xf32, #tpu.memory_space<vmem>>) offsets(%dma_start3A_231 : memref<128xi32, #tpu.memory_space<vmem>>) semaphore(%arg22 : memref<!tpu.dma_semaphore, #tpu.memory_space<semaphore_mem>>)
    %dma_wait3A_235 = arith.constant 128 : i32
    %dma_wait3A_236 = tpu.memref_slice %arg15[%dma_wait3A_235] : memref<512xi32, #tpu.memory_space<vmem>> -> memref<128xi32, #tpu.memory_space<vmem>>
    %dma_wait3A_237 = arith.constant 0 : i32
    %dma_wait3A_238 = arith.constant 0 : i32
    %dma_wait3A_239 = tpu.memref_slice %arg8[%dma_wait3A_237, %dma_wait3A_238] : memref<16384x128xf32, #tpu.memory_space<hbm>> -> memref<16384x128xf32, #tpu.memory_space<hbm>>
    tpu.wait_indirect_dma semaphore(%arg22 : memref<!tpu.dma_semaphore, #tpu.memory_space<semaphore_mem>>) src(%dma_wait3A_239 : memref<16384x128xf32, #tpu.memory_space<hbm>>) dst(%arg21 : memref<128x128xf32, #tpu.memory_space<vmem>>)
    %dma_start3A_240 = arith.constant 0 : i32
    %dma_start3A_241 = arith.constant 0 : i32
    %dma_start3A_242 = tpu.memref_slice %arg10[%dma_start3A_240, %dma_start3A_241] : memref<100000x128xf32, #tpu.memory_space<hbm>> -> memref<100000x128xf32, #tpu.memory_space<hbm>>
    tpu.enqueue_indirect_dma source(%arg21 : memref<128x128xf32, #tpu.memory_space<vmem>>) target(%dma_start3A_242 : memref<100000x128xf32, #tpu.memory_space<hbm>>) offsets(%arg19 : memref<128xi32, #tpu.memory_space<vmem>>) semaphore(%arg25 : memref<!tpu.dma_semaphore, #tpu.memory_space<semaphore_mem>>)
    %dma_wait3A_243 = arith.constant 0 : i32
    %dma_wait3A_244 = arith.constant 0 : i32
    %dma_wait3A_245 = tpu.memref_slice %arg10[%dma_wait3A_243, %dma_wait3A_244] : memref<100000x128xf32, #tpu.memory_space<hbm>> -> memref<100000x128xf32, #tpu.memory_space<hbm>>
    tpu.wait_indirect_dma semaphore(%arg24 : memref<!tpu.dma_semaphore, #tpu.memory_space<semaphore_mem>>) src(%arg20 : memref<128x128xf32, #tpu.memory_space<vmem>>) dst(%dma_wait3A_245 : memref<100000x128xf32, #tpu.memory_space<hbm>>)
    %add3A_246 = arith.constant 256 : i32
    %add3A_247 = arith.addi %multiple_of3A, %add3A_246 : i32
    %dma_start3A_248 = tpu.memref_slice %arg7[%add3A_247] : memref<16384xi32, #tpu.memory_space<hbm>> -> memref<128xi32, #tpu.memory_space<hbm>>
    %dma_start3A_249 = tpu.memref_slice %arg7[%add3A_247] : memref<16384xi32, #tpu.memory_space<hbm>> -> memref<128xi32, #tpu.memory_space<hbm>>
    tpu.enqueue_dma source(%dma_start3A_249 : memref<128xi32, #tpu.memory_space<hbm>>) target(%arg18 : memref<128xi32, #tpu.memory_space<vmem>>) target_semaphore(%arg22 : memref<!tpu.dma_semaphore, #tpu.memory_space<semaphore_mem>>)
    %dma_wait3A_250 = tpu.memref_slice %arg7[%add3A_247] : memref<16384xi32, #tpu.memory_space<hbm>> -> memref<128xi32, #tpu.memory_space<hbm>>
    %dma_wait3A_251 = tpu.memref_slice %arg7[%add3A_247] : memref<16384xi32, #tpu.memory_space<hbm>> -> memref<128xi32, #tpu.memory_space<hbm>>
    tpu.wait_dma2 semaphore(%arg22 : memref<!tpu.dma_semaphore, #tpu.memory_space<semaphore_mem>>) src(%dma_wait3A_251 : memref<128xi32, #tpu.memory_space<hbm>>) dst(%arg18 : memref<128xi32, #tpu.memory_space<vmem>>)
    %dma_start3A_252 = arith.constant 256 : i32
    %dma_start3A_253 = tpu.memref_slice %arg15[%dma_start3A_252] : memref<512xi32, #tpu.memory_space<vmem>> -> memref<128xi32, #tpu.memory_space<vmem>>
    %dma_start3A_254 = arith.constant 0 : i32
    %dma_start3A_255 = arith.constant 0 : i32
    %dma_start3A_256 = tpu.memref_slice %arg8[%dma_start3A_254, %dma_start3A_255] : memref<16384x128xf32, #tpu.memory_space<hbm>> -> memref<16384x128xf32, #tpu.memory_space<hbm>>
    tpu.enqueue_indirect_dma source(%dma_start3A_256 : memref<16384x128xf32, #tpu.memory_space<hbm>>) target(%arg20 : memref<128x128xf32, #tpu.memory_space<vmem>>) offsets(%dma_start3A_253 : memref<128xi32, #tpu.memory_space<vmem>>) semaphore(%arg22 : memref<!tpu.dma_semaphore, #tpu.memory_space<semaphore_mem>>)
    %dma_wait3A_257 = arith.constant 256 : i32
    %dma_wait3A_258 = tpu.memref_slice %arg15[%dma_wait3A_257] : memref<512xi32, #tpu.memory_space<vmem>> -> memref<128xi32, #tpu.memory_space<vmem>>
    %dma_wait3A_259 = arith.constant 0 : i32
    %dma_wait3A_260 = arith.constant 0 : i32
    %dma_wait3A_261 = tpu.memref_slice %arg8[%dma_wait3A_259, %dma_wait3A_260] : memref<16384x128xf32, #tpu.memory_space<hbm>> -> memref<16384x128xf32, #tpu.memory_space<hbm>>
    tpu.wait_indirect_dma semaphore(%arg22 : memref<!tpu.dma_semaphore, #tpu.memory_space<semaphore_mem>>) src(%dma_wait3A_261 : memref<16384x128xf32, #tpu.memory_space<hbm>>) dst(%arg20 : memref<128x128xf32, #tpu.memory_space<vmem>>)
    %dma_start3A_262 = arith.constant 0 : i32
    %dma_start3A_263 = arith.constant 0 : i32
    %dma_start3A_264 = tpu.memref_slice %arg10[%dma_start3A_262, %dma_start3A_263] : memref<100000x128xf32, #tpu.memory_space<hbm>> -> memref<100000x128xf32, #tpu.memory_space<hbm>>
    tpu.enqueue_indirect_dma source(%arg20 : memref<128x128xf32, #tpu.memory_space<vmem>>) target(%dma_start3A_264 : memref<100000x128xf32, #tpu.memory_space<hbm>>) offsets(%arg18 : memref<128xi32, #tpu.memory_space<vmem>>) semaphore(%arg24 : memref<!tpu.dma_semaphore, #tpu.memory_space<semaphore_mem>>)
    %dma_wait3A_265 = arith.constant 0 : i32
    %dma_wait3A_266 = arith.constant 0 : i32
    %dma_wait3A_267 = tpu.memref_slice %arg10[%dma_wait3A_265, %dma_wait3A_266] : memref<100000x128xf32, #tpu.memory_space<hbm>> -> memref<100000x128xf32, #tpu.memory_space<hbm>>
    tpu.wait_indirect_dma semaphore(%arg25 : memref<!tpu.dma_semaphore, #tpu.memory_space<semaphore_mem>>) src(%arg21 : memref<128x128xf32, #tpu.memory_space<vmem>>) dst(%dma_wait3A_267 : memref<100000x128xf32, #tpu.memory_space<hbm>>)
    %add3A_268 = arith.constant 384 : i32
    %add3A_269 = arith.addi %multiple_of3A, %add3A_268 : i32
    %dma_start3A_270 = tpu.memref_slice %arg7[%add3A_269] : memref<16384xi32, #tpu.memory_space<hbm>> -> memref<128xi32, #tpu.memory_space<hbm>>
    %dma_start3A_271 = tpu.memref_slice %arg7[%add3A_269] : memref<16384xi32, #tpu.memory_space<hbm>> -> memref<128xi32, #tpu.memory_space<hbm>>
    tpu.enqueue_dma source(%dma_start3A_271 : memref<128xi32, #tpu.memory_space<hbm>>) target(%arg19 : memref<128xi32, #tpu.memory_space<vmem>>) target_semaphore(%arg22 : memref<!tpu.dma_semaphore, #tpu.memory_space<semaphore_mem>>)
    %dma_wait3A_272 = tpu.memref_slice %arg7[%add3A_269] : memref<16384xi32, #tpu.memory_space<hbm>> -> memref<128xi32, #tpu.memory_space<hbm>>
    %dma_wait3A_273 = tpu.memref_slice %arg7[%add3A_269] : memref<16384xi32, #tpu.memory_space<hbm>> -> memref<128xi32, #tpu.memory_space<hbm>>
    tpu.wait_dma2 semaphore(%arg22 : memref<!tpu.dma_semaphore, #tpu.memory_space<semaphore_mem>>) src(%dma_wait3A_273 : memref<128xi32, #tpu.memory_space<hbm>>) dst(%arg19 : memref<128xi32, #tpu.memory_space<vmem>>)
    %dma_start3A_274 = arith.constant 384 : i32
    %dma_start3A_275 = tpu.memref_slice %arg15[%dma_start3A_274] : memref<512xi32, #tpu.memory_space<vmem>> -> memref<128xi32, #tpu.memory_space<vmem>>
    %dma_start3A_276 = arith.constant 0 : i32
    %dma_start3A_277 = arith.constant 0 : i32
    %dma_start3A_278 = tpu.memref_slice %arg8[%dma_start3A_276, %dma_start3A_277] : memref<16384x128xf32, #tpu.memory_space<hbm>> -> memref<16384x128xf32, #tpu.memory_space<hbm>>
    tpu.enqueue_indirect_dma source(%dma_start3A_278 : memref<16384x128xf32, #tpu.memory_space<hbm>>) target(%arg21 : memref<128x128xf32, #tpu.memory_space<vmem>>) offsets(%dma_start3A_275 : memref<128xi32, #tpu.memory_space<vmem>>) semaphore(%arg22 : memref<!tpu.dma_semaphore, #tpu.memory_space<semaphore_mem>>)
    %dma_wait3A_279 = arith.constant 384 : i32
    %dma_wait3A_280 = tpu.memref_slice %arg15[%dma_wait3A_279] : memref<512xi32, #tpu.memory_space<vmem>> -> memref<128xi32, #tpu.memory_space<vmem>>
    %dma_wait3A_281 = arith.constant 0 : i32
    %dma_wait3A_282 = arith.constant 0 : i32
    %dma_wait3A_283 = tpu.memref_slice %arg8[%dma_wait3A_281, %dma_wait3A_282] : memref<16384x128xf32, #tpu.memory_space<hbm>> -> memref<16384x128xf32, #tpu.memory_space<hbm>>
    tpu.wait_indirect_dma semaphore(%arg22 : memref<!tpu.dma_semaphore, #tpu.memory_space<semaphore_mem>>) src(%dma_wait3A_283 : memref<16384x128xf32, #tpu.memory_space<hbm>>) dst(%arg21 : memref<128x128xf32, #tpu.memory_space<vmem>>)
    %dma_start3A_284 = arith.constant 0 : i32
    %dma_start3A_285 = arith.constant 0 : i32
    %dma_start3A_286 = tpu.memref_slice %arg10[%dma_start3A_284, %dma_start3A_285] : memref<100000x128xf32, #tpu.memory_space<hbm>> -> memref<100000x128xf32, #tpu.memory_space<hbm>>
    tpu.enqueue_indirect_dma source(%arg21 : memref<128x128xf32, #tpu.memory_space<vmem>>) target(%dma_start3A_286 : memref<100000x128xf32, #tpu.memory_space<hbm>>) offsets(%arg19 : memref<128xi32, #tpu.memory_space<vmem>>) semaphore(%arg25 : memref<!tpu.dma_semaphore, #tpu.memory_space<semaphore_mem>>)
    %dma_wait3A_287 = arith.constant 0 : i32
    %dma_wait3A_288 = arith.constant 0 : i32
    %dma_wait3A_289 = tpu.memref_slice %arg10[%dma_wait3A_287, %dma_wait3A_288] : memref<100000x128xf32, #tpu.memory_space<hbm>> -> memref<100000x128xf32, #tpu.memory_space<hbm>>
    tpu.wait_indirect_dma semaphore(%arg24 : memref<!tpu.dma_semaphore, #tpu.memory_space<semaphore_mem>>) src(%arg20 : memref<128x128xf32, #tpu.memory_space<vmem>>) dst(%dma_wait3A_289 : memref<100000x128xf32, #tpu.memory_space<hbm>>)
    %dma_wait3A_290 = arith.constant 0 : i32
    %dma_wait3A_291 = arith.constant 0 : i32
    %dma_wait3A_292 = tpu.memref_slice %arg10[%dma_wait3A_290, %dma_wait3A_291] : memref<100000x128xf32, #tpu.memory_space<hbm>> -> memref<100000x128xf32, #tpu.memory_space<hbm>>
    tpu.wait_indirect_dma semaphore(%arg25 : memref<!tpu.dma_semaphore, #tpu.memory_space<semaphore_mem>>) src(%arg21 : memref<128x128xf32, #tpu.memory_space<vmem>>) dst(%dma_wait3A_292 : memref<100000x128xf32, #tpu.memory_space<hbm>>)
    %dma_wait3A_293 = arith.constant 0 : i32
    %dma_wait3A_294 = tpu.memref_slice %arg11[%dma_wait3A_293] : memref<100000xi32, #tpu.memory_space<hbm>> -> memref<100000xi32, #tpu.memory_space<hbm>>
    tpu.wait_indirect_dma semaphore(%arg23 : memref<!tpu.dma_semaphore, #tpu.memory_space<semaphore_mem>>) src(%arg16 : memref<512xi32, #tpu.memory_space<vmem>>) dst(%dma_wait3A_294 : memref<100000xi32, #tpu.memory_space<hbm>>)
    %dma_wait3A_295 = arith.constant 0 : i32
    %dma_wait3A_296 = tpu.memref_slice %arg12[%dma_wait3A_295] : memref<100000xi32, #tpu.memory_space<hbm>> -> memref<100000xi32, #tpu.memory_space<hbm>>
    tpu.wait_indirect_dma semaphore(%arg23 : memref<!tpu.dma_semaphore, #tpu.memory_space<semaphore_mem>>) src(%arg17 : memref<512xi32, #tpu.memory_space<vmem>>) dst(%dma_wait3A_296 : memref<100000xi32, #tpu.memory_space<hbm>>)
    %dma_wait3A_297 = arith.constant 0 : i32
    %dma_wait3A_298 = tpu.memref_slice %arg13[%dma_wait3A_297] : memref<100000xi32, #tpu.memory_space<hbm>> -> memref<100000xi32, #tpu.memory_space<hbm>>
    tpu.wait_indirect_dma semaphore(%arg23 : memref<!tpu.dma_semaphore, #tpu.memory_space<semaphore_mem>>) src(%arg17 : memref<512xi32, #tpu.memory_space<vmem>>) dst(%dma_wait3A_298 : memref<100000xi32, #tpu.memory_space<hbm>>)
    return
  }
}

module attributes {stable_mosaic.version = 14 : i64} {
  func.func @_tc_copy_body(%arg0: i32, %arg1: memref<4000x128xf32, #tpu.memory_space<vmem>>, %arg2: memref<100x1000xi32, #tpu.memory_space<vmem>>, %arg3: memref<100x1000xi32, #tpu.memory_space<vmem>>, %arg4: memref<100x1000xi32, #tpu.memory_space<vmem>>, %arg5: memref<4000x128xf32, #tpu.memory_space<vmem>>, %arg6: memref<100x1000xi32, #tpu.memory_space<vmem>>, %arg7: memref<100x1000xi32, #tpu.memory_space<vmem>>, %arg8: memref<100x1000xi32, #tpu.memory_space<vmem>>) attributes {dimension_semantics = [#tpu.dimension_semantics<arbitrary>], iteration_bounds = array<i64: 25>, scalar_prefetch = 0 : i64, scratch_operands = 0 : i64, tpu.core_type = #tpu.core_type<tc>, window_params = [{transform_indices = @transform_0, window_bounds = array<i64: 4000, 128>}, {pipeline_mode = #tpu.pipeline_mode<synchronous>, transform_indices = @transform_1, window_bounds = array<i64: 100, 1000>}, {pipeline_mode = #tpu.pipeline_mode<synchronous>, transform_indices = @transform_2, window_bounds = array<i64: 100, 1000>}, {pipeline_mode = #tpu.pipeline_mode<synchronous>, transform_indices = @transform_3, window_bounds = array<i64: 100, 1000>}, {transform_indices = @transform_4, window_bounds = array<i64: 4000, 128>}, {pipeline_mode = #tpu.pipeline_mode<synchronous>, transform_indices = @transform_5, window_bounds = array<i64: 100, 1000>}, {pipeline_mode = #tpu.pipeline_mode<synchronous>, transform_indices = @transform_6, window_bounds = array<i64: 100, 1000>}, {pipeline_mode = #tpu.pipeline_mode<synchronous>, transform_indices = @transform_7, window_bounds = array<i64: 100, 1000>}]} {
    %get3A = arith.constant 0 : index
    %get3A_0 = arith.constant 0 : index
    %get3A_1 = vector.load %arg1[%get3A, %get3A_0] : memref<4000x128xf32, #tpu.memory_space<vmem>>, vector<4000x128xf32>
    %swap3A = arith.constant 0 : index
    %swap3A_2 = arith.constant 0 : index
    %swap3A_3 = vector.load %arg5[%swap3A, %swap3A_2] : memref<4000x128xf32, #tpu.memory_space<vmem>>, vector<4000x128xf32>
    tpu.vector_store %arg5[%swap3A, %swap3A_2], %get3A_1 {strides = array<i32>} : memref<4000x128xf32, #tpu.memory_space<vmem>>, vector<4000x128xf32>,
    %eq3A = arith.constant 0 : i32
    %eq3A_4 = arith.cmpi eq, %arg0, %eq3A : i32
    %convert_element_type3A = arith.extui %eq3A_4 : i1 to i32
    %cond3A = arith.constant 0 : i32
    %cond3A_5 = arith.cmpi ne, %convert_element_type3A, %cond3A : i32
    scf.if %cond3A_5 {
      %get3A_6 = arith.constant 0 : index
      %get3A_7 = arith.constant 0 : index
      %get3A_8 = vector.load %arg2[%get3A_6, %get3A_7] : memref<100x1000xi32, #tpu.memory_space<vmem>>, vector<100x1000xi32>
      %swap3A_9 = arith.constant 0 : index
      %swap3A_10 = arith.constant 0 : index
      %swap3A_11 = vector.load %arg6[%swap3A_9, %swap3A_10] : memref<100x1000xi32, #tpu.memory_space<vmem>>, vector<100x1000xi32>
      tpu.vector_store %arg6[%swap3A_9, %swap3A_10], %get3A_8 {strides = array<i32>} : memref<100x1000xi32, #tpu.memory_space<vmem>>, vector<100x1000xi32>,
      %get3A_12 = arith.constant 0 : index
      %get3A_13 = arith.constant 0 : index
      %get3A_14 = vector.load %arg3[%get3A_12, %get3A_13] : memref<100x1000xi32, #tpu.memory_space<vmem>>, vector<100x1000xi32>
      %swap3A_15 = arith.constant 0 : index
      %swap3A_16 = arith.constant 0 : index
      %swap3A_17 = vector.load %arg7[%swap3A_15, %swap3A_16] : memref<100x1000xi32, #tpu.memory_space<vmem>>, vector<100x1000xi32>
      tpu.vector_store %arg7[%swap3A_15, %swap3A_16], %get3A_14 {strides = array<i32>} : memref<100x1000xi32, #tpu.memory_space<vmem>>, vector<100x1000xi32>,
      %get3A_18 = arith.constant 0 : index
      %get3A_19 = arith.constant 0 : index
      %get3A_20 = vector.load %arg4[%get3A_18, %get3A_19] : memref<100x1000xi32, #tpu.memory_space<vmem>>, vector<100x1000xi32>
      %swap3A_21 = arith.constant 0 : index
      %swap3A_22 = arith.constant 0 : index
      %swap3A_23 = vector.load %arg8[%swap3A_21, %swap3A_22] : memref<100x1000xi32, #tpu.memory_space<vmem>>, vector<100x1000xi32>
      tpu.vector_store %arg8[%swap3A_21, %swap3A_22], %get3A_20 {strides = array<i32>} : memref<100x1000xi32, #tpu.memory_space<vmem>>, vector<100x1000xi32>,
    } else {
    }
    return
  }
  func.func @transform_0(%arg0: i32) -> (i32, i32) {
    %c0_i32 = arith.constant 0 : i32
    %c0_i32_0 = arith.constant 0 : i32
    return %arg0, %c0_i32 : i32, i32
  }
  func.func @transform_1(%arg0: i32) -> (i32, i32) {
    %c0_i32 = arith.constant 0 : i32
    %c0_i32_0 = arith.constant 0 : i32
    %c0_i32_1 = arith.constant 0 : i32
    return %c0_i32, %c0_i32_0 : i32, i32
  }
  func.func @transform_2(%arg0: i32) -> (i32, i32) {
    %c0_i32 = arith.constant 0 : i32
    %c0_i32_0 = arith.constant 0 : i32
    %c0_i32_1 = arith.constant 0 : i32
    return %c0_i32, %c0_i32_0 : i32, i32
  }
  func.func @transform_3(%arg0: i32) -> (i32, i32) {
    %c0_i32 = arith.constant 0 : i32
    %c0_i32_0 = arith.constant 0 : i32
    %c0_i32_1 = arith.constant 0 : i32
    return %c0_i32, %c0_i32_0 : i32, i32
  }
  func.func @transform_4(%arg0: i32) -> (i32, i32) {
    %c0_i32 = arith.constant 0 : i32
    %c0_i32_0 = arith.constant 0 : i32
    return %arg0, %c0_i32 : i32, i32
  }
  func.func @transform_5(%arg0: i32) -> (i32, i32) {
    %c0_i32 = arith.constant 0 : i32
    %c0_i32_0 = arith.constant 0 : i32
    %c0_i32_1 = arith.constant 0 : i32
    return %c0_i32, %c0_i32_0 : i32, i32
  }
  func.func @transform_6(%arg0: i32) -> (i32, i32) {
    %c0_i32 = arith.constant 0 : i32
    %c0_i32_0 = arith.constant 0 : i32
    %c0_i32_1 = arith.constant 0 : i32
    return %c0_i32, %c0_i32_0 : i32, i32
  }
  func.func @transform_7(%arg0: i32) -> (i32, i32) {
    %c0_i32 = arith.constant 0 : i32
    %c0_i32_0 = arith.constant 0 : i32
    %c0_i32_1 = arith.constant 0 : i32
    return %c0_i32, %c0_i32_0 : i32, i32
  }
}

</mosaic_0001>

<sc_bundles>
// kernel: kernel.4.cloned.1.call-start
scs
__scs_entry_jumppad:
0x0: {  	(pc) =	sbr.rel $0x88, $3  }
0x1: {  	(tag) =	ssettag $0x0;
	lr =	simm.s32 $0x1  }
0x2: {  	[smem:$0x3F99] =	sst lr;
	_ =	strace $0xD0000000  }
0x3: {  	_ = 	snop  }
0x4: {  	_ = 	snop  }
0x5: {  	_ = 	snop  }
0x6: {  	_ = 	snop  }
0x7: {  	_ = 	snop  }
__scs_overlays_trampoline_lowered:
0x8: {  	[smem:$0x3FA8] =	sst s0  }
0x9: {  	[smem:$0x3FA9] =	sst s1  }
0xa: {  	[smem:$0x3FAA] =	sst s2  }
0xb: {  	[smem:$0x3FAB] =	sst s3  }
0xc: {  	[smem:$0x3FAC] =	sst s4  }
0xd: {  	[smem:$0x3FAD] =	sst s5  }
0xe: {  	[smem:$0x3FAE] =	sst s6  }
0xf: {  	[smem:$0x3FAF] =	sst s7  }
0x10: {  	[smem:$0x3FB0] =	sst s8  }
0x11: {  	[smem:$0x3FB1] =	sst s9;
	s0 =	simm.s32 @!p0 $0x0  }
0x12: {  	s1 =	sld [smem:$0x3F97];
	s0 =	simm.s32 @p0 $0x1  }
0x13: {  	[smem:$0x3FB2] =	sst s0;
	s0 =	simm.s32 @!p1 $0x0  }
0x14: {  	s2 =	sld [smem:$0x3F96];
	s0 =	simm.s32 @p1 $0x1  }
0x15: {  	[smem:$0x3FB3] =	sst s0;
	s0 =	simm.s32 @!p2 $0x0  }
0x16: {  	s3 =	sld [smem:$0x3FDB];
	s0 =	simm.s32 @p2 $0x1  }
0x17: {  	s4 =	simm.s32 $0x1BF5;
	[smem:$0x3FB5] =	sst s0  }
0x18: {  	s0 =	sld [smem:$0x3F98];
	_ =	swait.ge [sflag:s4], $0x0  }
0x19: {  	s7 =	sld [smem:$0x3F99]  }
0x1a: {  	s8 =	sadd.s32 $0xFFFFE003, lr  }
0x1b: {  	s9 =	sadd.s32 $0xFFFFFEF7, lr;
	s5 =	simm.s32 $0xFFFFFFFF;
	p2 =	slt.u32 s8, $0xFFFFF086  }
0x1c: {  	p1 =	slt.u32 s9, $0xF7A;
	s5 =	simm.s32 @!p2 $0x0  }
0x1d: {  	s5 =	simm.s32 @p1 $0x1;
	p0 =	seq.s32 s7, s2  }
0x1e: {  	s7 =	smul.u32 @!p0 $0xF7A, s2;
	p2 =	seq.s32 @!p0 s5, $0x0  }
0x1f: {  	s9 =	smul.u32 $0xF7A, s1;
	s8 =	simm.s32 @!p0 $0x1BF5;
	p2 =	por !p2, p0  }
0x20: {  	[sflag:s8] =	ssyncset.s32 @!p0 $0xFFFFF086;
	s6 =	sadd.s32 @!p0 s3, s7;
	s7 =	simm.s32 @!p0 $0x108  }
0x21: {  	s3 =	sadd.s32 s3, s9;
	s6 =	sadd.s32 @!p0 $0x88, s6;
	s7 =	simm.s32 @p2 $0x1082  }
0x22: {  	[simem:s7], [sflag:s8] =	dma.local @!p0 [hbm:s6], $0xF7A  }
0x23: {  	s9 =	sor.u32 $0xD0000000, s2;
	s6 =	simm.s32 $0x108;
	_ =	swait.ge @!p0 [sflag:s8], $0x0  }
0x24: {  	s3 =	sadd.s32 $0x88, s3;
	s6 =	simm.s32 @!p1 $0x1082;
	[sflag:s4] =	ssyncset.s32 $0xFFFFF086  }
0x25: {  	[simem:s6], [sflag:s4] =	dma.local [hbm:s3], $0xF7A  }
0x26: {  	[smem:$0x3F99] =	sst s1;
	(tag) =	ssettag s2;
	_ =	strace s9  }
0x27: {  	s1 =	sld [smem:$0x3FA9]  }
0x28: {  	s2 =	sld [smem:$0x3FAA]  }
0x29: {  	s4 =	sld [smem:$0x3FAC]  }
0x2a: {  	p0 =	seq.s32 s5, $0x0;
	s5 =	sld [smem:$0x3FAD]  }
0x2b: {  	s6 =	sld [smem:$0x3FAE]  }
0x2c: {  	s7 =	sld [smem:$0x3FAF]  }
0x2d: {  	s3 =	simm.s32 $0x108;
	s8 =	sld [smem:$0x3FB0]  }
0x2e: {  	s3 =	simm.s32 @!p0 $0x1082;
	s9 =	sld [smem:$0x3FB1]  }
0x2f: {  	lr =	sadd.s32 s0, s3;
	s0 =	sld [smem:$0x3FA8]  }
0x30: {  	s3 =	sld [smem:$0x3FAB]  }
0x31: {  	[smem:$0x3FB4] =	sst s10  }
0x32: {  	s10 =	sld [smem:$0x3FB2];
	_ =	sdelay $0x3  }
0x33: {  	p0 =	seq.s32 s10, $0x1;
	s10 =	sld [smem:$0x3FB4];
	_ =	sdelay $0x3  }
0x34: {  	[smem:$0x3FB4] =	sst s10  }
0x35: {  	s10 =	sld [smem:$0x3FB3];
	_ =	sdelay $0x3  }
0x36: {  	p1 =	seq.s32 s10, $0x1;
	s10 =	sld [smem:$0x3FB4];
	_ =	sdelay $0x3  }
0x37: {  	[smem:$0x3FB4] =	sst s10  }
0x38: {  	s10 =	sld [smem:$0x3FB5]  }
0x39: {  	_ = 	snop;
	(pc) =	sbr.ind lr, $3  }
0x3a: {  	_ = 	snop  }
0x3b: {  	_ = 	snop  }
0x3c: {  	p2 =	seq.s32 s10, $0x1;
	s10 =	sld [smem:$0x3FB4]  }
0x3d: {  	_ =	shalt  }
0x3e: {  	_ =	shalt  }
0x3f: {  	_ =	shalt  }
0x40: {  	_ =	shalt  }
0x41: {  	_ =	shalt  }
0x42: {  	_ =	shalt  }
0x43: {  	_ =	shalt  }
0x44: {  	_ =	shalt  }
0x45: {  	_ =	shalt  }
0x46: {  	_ =	shalt  }
0x47: {  	_ =	shalt  }
0x48: {  	_ =	shalt  }
0x49: {  	_ =	shalt  }
0x4a: {  	_ =	shalt  }
0x4b: {  	_ =	shalt  }
0x4c: {  	_ =	shalt  }
0x4d: {  	_ =	shalt  }
0x4e: {  	_ =	shalt  }
0x4f: {  	_ =	shalt  }
0x50: {  	_ =	shalt  }
0x51: {  	_ =	shalt  }
0x52: {  	_ =	shalt  }
0x53: {  	_ =	shalt  }
0x54: {  	_ =	shalt  }
0x55: {  	_ =	shalt  }
0x56: {  	_ =	shalt  }
0x57: {  	_ =	shalt  }
0x58: {  	_ =	shalt  }
0x59: {  	_ =	shalt  }
0x5a: {  	_ =	shalt  }
0x5b: {  	_ =	shalt  }
0x5c: {  	_ =	shalt  }
0x5d: {  	_ =	shalt  }
0x5e: {  	_ =	shalt  }
0x5f: {  	_ =	shalt  }
0x60: {  	_ =	shalt  }
0x61: {  	_ =	shalt  }
0x62: {  	_ =	shalt  }
0x63: {  	_ =	shalt  }
0x64: {  	_ =	shalt  }
0x65: {  	_ =	shalt  }
0x66: {  	_ =	shalt  }
0x67: {  	_ =	shalt  }
0x68: {  	_ =	shalt  }
0x69: {  	_ =	shalt  }
0x6a: {  	_ =	shalt  }
0x6b: {  	_ =	shalt  }
0x6c: {  	_ =	shalt  }
0x6d: {  	_ =	shalt  }
0x6e: {  	_ =	shalt  }
0x6f: {  	_ =	shalt  }
0x70: {  	_ =	shalt  }
0x71: {  	_ =	shalt  }
0x72: {  	_ =	shalt  }
0x73: {  	_ =	shalt  }
0x74: {  	_ =	shalt  }
0x75: {  	_ =	shalt  }
0x76: {  	_ =	shalt  }
0x77: {  	_ =	shalt  }
0x78: {  	_ =	shalt  }
0x79: {  	_ =	shalt  }
0x7a: {  	_ =	shalt  }
0x7b: {  	_ =	shalt  }
0x7c: {  	_ =	shalt  }
0x7d: {  	_ =	shalt  }
0x7e: {  	_ =	shalt  }
0x7f: {  	_ =	shalt  }
0x80: {  	_ =	shalt  }
0x81: {  	_ =	shalt  }
0x82: {  	_ =	shalt  }
0x83: {  	_ =	shalt  }
0x84: {  	_ =	shalt  }
0x85: {  	_ =	shalt  }
0x86: {  	_ =	shalt  }
0x87: {  	_ =	shalt  }
.Lfunc_end0:
.L_simem_size_0:
called_computation_lowered:
.L_overlay_start_0:
0x88: {  	s2 =	sld [smem:$0x3FD9]  }
0x89: {  	s3 =	sld [smem:$0x3FFE];
	_ =	sdelay $0x1  }
0x8a: {  	s1 =	srdreg.scid  }
0x8b: {  	s0 =	sand.u32 $0x1, s1  }
0x8c: {  	s14 =	sshll.u32 s0, $0xA;
	s2 =	sadd.s32 s3, s2  }
0x8d: {  	s2 =	sadd.s32 s2, s14  }
0x8e: {  	[smem:$0x3FC0] =	sst s2  }
0x8f: {  	_ = 	snop  }
0x90: {  	s2 =	sld [smem:$0x3FD0]  }
0x91: {  	s15 =	sld [smem:$0x3FC5]  }
0x92: {  	s4 =	sld [smem:$0x3FC3]  }
0x93: {  	s6 =	simm.s32 $0xA;
	s7 =	simm.s32 $0x10;
	s5 =	sld [smem:$0x3FC2]  }
0x94: {  	[smem:s7], [sflag:s6] =	dma.local [hbm:s2], $0x1  }
0x95: {  	_ =	swait.eq [sflag:s6], $0x1  }
0x96: {  	s16 =	sld [smem:$0x10]  }
0x97: {  	s17 =	sld [smem:$0x11];
	[sflag:s6] =	ssyncset.done $0x0  }
0x98: {  	s8 =	sld [smem:$0x12];
	[sflag:s6] =	ssyncadd.s32 $0xFFFFFFFF  }
0x99: {  	s18 =	sld [smem:$0x13];
	(tm) =	ssettm $0x1  }
0x9a: {  	s9 =	sld [smem:$0x3FFB];
	_ =	sdelay $0x3  }
0x9b: {  	_ =	strace s9  }
0x9c: {  	s9 =	sld [smem:$0x3FFC];
	_ =	sdelay $0x3  }
0x9d: {  	_ =	strace s9  }
0x9e: {  	s9 =	sld [smem:$0x3FFD];
	_ =	sdelay $0x3  }
0x9f: {  	_ =	strace s9  }
0xa0: {  	_ =	strace $0x8FFFFFFF  }
0xa1: {  	s19 =	sld [smem:$0x3FDB];
	_ =	sdelay $0x1  }
0xa2: {  	s10 =	simm.s32 $_scs_section_size  }
0xa3: {  	s11 =	simm.s32 $_size__tile_overlayer_lowered;
	s12 =	simm.s32 $_tile_overlayer_lowered  }
0xa4: {  	s22 =	simm.s32 $0x1BFF;
	s21 =	sshll.u32 s12, $0x1;
	s9 =	sadd.s32 s10, s19  }
0xa5: {  	s13 =	simm.s32 $0x0;
	s20 =	sshll.u32 s11, $0x1;
	s11 =	sadd.s32 s21, s9  }
0xa6: {  	[timem:s13], [sflag:s22] =	dma.local [hbm:s11], s20  }
0xa7: {  	_ =	swait.ge [sflag:s22], s20  }
0xa8: {  	s10 =	ssub.s32 $0x0, s20;
	[sflag:s22] =	ssyncset.done $0x0  }
0xa9: {  	[sflag:s22] =	ssyncadd.s32 s10;
	_ =	sdelay $0x1  }
0xaa: {  	s23 =	simm.s32 $0x1B8B  }
0xab: {  	_ =	swait.ge [sflag:s23], $0x1  }
0xac: {  	[sflag:s23] =	ssyncset.done $0x0  }
0xad: {  	s25 =	simm.s32 $0x1B8E;
	s24 =	sld [smem:$0x3FFE];
	[sflag:s23] =	ssyncadd.s32 $0xFFFFFFFF  }
0xae: {  	s26 =	simm.s32 $execute0_lowered;
	[smem:$0x3FD2] =	sst s25  }
0xaf: {  	s11 =	sshll.u32 s26, $0x1;
	_ =	strace $0x80000046;
	[dreg:$0x1] =	wrdreg $0xFFFFFFFF  }
0xb0: {  	s28 =	simm.s32 $_size_execute0_lowered;
	s9 =	sadd.s32 s9, s11;
	[dreg:$0x0] =	wrdreg $0x0  }
0xb1: {  	s11 =	sshll.u32 s28, $0x1;
	[dreg:$0x2] =	wrdreg s9  }
0xb2: {  	[dreg:$0x3] =	wrdreg s11  }
0xb3: {  	[dreg:$0x4] =	wrdreg $0xC0  }
0xb4: {  	_ =	task [dreg:s13], $0x5FFFF  }
0xb5: {  	[dreg:$0x1] =	wrdreg $0xFFFFFFFF  }
0xb6: {  	[dreg:$0x0] =	wrdreg $0x60  }
0xb7: {  	[dreg:$0x2] =	wrdreg s24  }
0xb8: {  	[dreg:$0x3] =	wrdreg s15  }
0xb9: {  	[dreg:$0x4] =	wrdreg s4  }
0xba: {  	[dreg:$0x5] =	wrdreg s5  }
0xbb: {  	[dreg:$0x6] =	wrdreg s16  }
0xbc: {  	[dreg:$0x7] =	wrdreg s17  }
0xbd: {  	[dreg:$0x8] =	wrdreg s8  }
0xbe: {  	[dreg:$0x9] =	wrdreg s18  }
0xbf: {  	[dreg:$0xa] =	wrdreg $0x9  }
0xc0: {  	_ =	task.clear_ibuf [dreg:s13], $0xBFFFF;
	_ =	strace $0x90000046  }
0xc1: {  	s29 =	simm.s32 $0x9;
	_ =	strace $0x80000048  }
0xc2: {  	_ =	swait.ge [sflag:s29], $0x1  }
0xc3: {  	[sflag:s29] =	ssyncadd.s32 $0xFFFFFFFF  }
0xc4: {  	_ =	strace $0x90000048  }
0xc5: {  	_ =	sfence  }
0xc6: {  	s30 =	sld [smem:$0x0];
	_ =	sdelay $0x2  }
0xc7: {  	s31 =	sshll.u32 s1, $0xD;
	s1 =	sshrl.u32 s1, $0x2  }
0xc8: {  	s3 =	sand.u32 $0x4000, s31;
	s1 =	sadd.s32 s1, s30  }
0xc9: {  	s0 =	sor.u32 s3, s0;
	s1 =	sshll.u32 s1, $0x11  }
0xca: {  	s0 =	sor.u32 s1, s0  }
0xcb: {  	s0 =	sadd.s32 $0x8F2B, s0  }
0xcc: {  	[sflag:s0] =	ssyncadd.remote.s32 $0x1  }
0xcd: {  	_ =	sfence.sel $0xFFFF  }
0xce: {  	[dreg:$0x0] =	wrdreg $0xFFFFFFFF;
	(pc) =	sbr.abs _section_cstart, $3  }
0xcf: {  	[dreg:$0x1] =	wrdreg $0xFFFFFFFF  }
0xd0: {  	_ =	task.clear_ibuf [dreg:s13], $0x2FFFF;
	_ =	strace $0x9FFFFFFF  }
0xd1: {  	(tm) =	ssettm $0x7FFFFFFF  }
tec
execute0_lowered:
.L_overlay_start_1:
0x0: {  	(tag) =	ssettag $0x1  }
0x1: {  	s9 =	rddreg [dreg:$0x0]  }
0x2: {  	s10 =	rddreg [dreg:$0x1]  }
0x3: {  	s3 =	rddreg [dreg:$0x2]  }
0x4: {  	s5 =	rddreg [dreg:$0x3]  }
0x5: {  	s2 =	rddreg [dreg:$0x4]  }
0x6: {  	s6 =	rddreg [dreg:$0x5]  }
0x7: {  	s7 =	rddreg [dreg:$0x6]  }
0x8: {  	s8 =	rddreg [dreg:$0x7];
	s4 =	srdreg.scid  }
0x9: {  	s0 =	rddreg [dreg:$0x8];
	s1 =	stileid.u32;
	s25 =	sand.u32 $0x1, s4  }
0xa: {  	s4 =	simm.s32 $0x0;
	s12 =	sshll.u32 s1, $0x6;
	s11 =	sshll.u32 s25, $0xA  }
0xb: {  	[smem:$0x7FF] =	sst s4;
	s11 =	sor.u32 s12, s11  }
0xc: {  	_ =	strace $0x80000047;
	s10 =	sadd.s32 s10, s11;
	s11 =	simm.s32 $0x5  }
0xd: {  	[tilespmem:s4], [sflag:$0x5] =	stream.linear.gather [hbm4b:s10+s4], $0x200, $0x38;
	[tilespmem:$0x8900] =	vst v63  }
0xe: {  	_ =	swait.ge [sflag:s11], $0x200  }
0xf: {  	s13 =	simm.s32 $0x200;
	[sflag:s11] =	ssyncset.done $0x0  }
0x10: {  	s12 =	sadd.s32 $0x600, s9;
	s9 =	simm.s32 $0x1;
	[sflag:s11] =	ssyncadd.s32 $0xFFFFFE00  }
0x11: {  	[tilespmem:s13], [sflag:$0x1] =	stream.indirect.gather [hbm4b:s12+s13], $0x1, s4, s13, $0xb8;
	[tilespmem:$0x8900] =	vst v63  }
0x12: {  	_ =	swait.ge [sflag:s9], $0x200  }
0x13: {  	[sflag:s9] =	ssyncset.done $0x0  }
0x14: {  	s14 =	simm.s32 $0x400;
	[sflag:s9] =	ssyncadd.s32 $0xFFFFFE00  }
0x15: {  	v0 =	vimm.s32 $0x0;
	[tilespmem:s14], [sflag:$0x2] =	stream.indirect.gather [hbm4b:s5+s13], $0x1, s13, s13, $0xb8;
	[tilespmem:$0x8900] =	vst v63  }
0x16: {  	[tilespmem:$0x7F0] =	vst v0  }
0x17: {  	[tilespmem:$0x7E0] =	vst v0  }
0x18: {  	[tilespmem:$0x7D0] =	vst v0  }
0x19: {  	[tilespmem:$0x7C0] =	vst v0  }
0x1a: {  	[tilespmem:$0x7B0] =	vst v0  }
0x1b: {  	[tilespmem:$0x7A0] =	vst v0  }
0x1c: {  	[tilespmem:$0x790] =	vst v0  }
0x1d: {  	[tilespmem:$0x780] =	vst v0  }
0x1e: {  	[tilespmem:$0x770] =	vst v0  }
0x1f: {  	[tilespmem:$0x760] =	vst v0  }
0x20: {  	[tilespmem:$0x750] =	vst v0  }
0x21: {  	[tilespmem:$0x740] =	vst v0  }
0x22: {  	[tilespmem:$0x730] =	vst v0  }
0x23: {  	[tilespmem:$0x720] =	vst v0  }
0x24: {  	[tilespmem:$0x710] =	vst v0  }
0x25: {  	[tilespmem:$0x700] =	vst v0  }
0x26: {  	[tilespmem:$0x6F0] =	vst v0  }
0x27: {  	[tilespmem:$0x6E0] =	vst v0  }
0x28: {  	[tilespmem:$0x6D0] =	vst v0  }
0x29: {  	[tilespmem:$0x6C0] =	vst v0  }
0x2a: {  	[tilespmem:$0x6B0] =	vst v0  }
0x2b: {  	[tilespmem:$0x6A0] =	vst v0  }
0x2c: {  	[tilespmem:$0x690] =	vst v0  }
0x2d: {  	[tilespmem:$0x680] =	vst v0  }
0x2e: {  	[tilespmem:$0x670] =	vst v0  }
0x2f: {  	[tilespmem:$0x660] =	vst v0  }
0x30: {  	[tilespmem:$0x650] =	vst v0  }
0x31: {  	[tilespmem:$0x640] =	vst v0  }
0x32: {  	[tilespmem:$0x630] =	vst v0  }
0x33: {  	[tilespmem:$0x620] =	vst v0  }
0x34: {  	[tilespmem:$0x600] =	vst v0  }
0x35: {  	s15 =	simm.s32 $0x2;
	[tilespmem:$0x610] =	vst v0  }
0x36: {  	_ =	swait.ge [sflag:s15], $0x200  }
0x37: {  	[sflag:s15] =	ssyncset.done $0x0  }
0x38: {  	[sflag:s15] =	ssyncadd.s32 $0xFFFFFE00  }
0x39: {  	[hbm4b:s6+s13] =	stream.indirect.scatter [tilespmem:s14], [sflag:$0x2], $0x1, s4, s13, $0xb8;
	[tilespmem:$0x8900] =	vst v63  }
0x3a: {  	s19 =	simm.s32 $0x600  }
0x3b: {  	[hbm4b:s7+s13] =	stream.indirect.scatter [tilespmem:s19], [sflag:$0x2], $0x1, s4, s13, $0xb8;
	[tilespmem:$0x8900] =	vst v63  }
0x3c: {  	_ = 	snop  }
0x3d: {  	[hbm4b:s8+s13] =	stream.indirect.scatter [tilespmem:s19], [sflag:$0x2], $0x1, s4, s13, $0xb8;
	[tilespmem:$0x8900] =	vst v63  }
0x3e: {  	s17 =	simm.s32 $0x800  }
0x3f: {  	[tilespmem:s17], [sflag:$0x1] =	stream.linear.gather [hbm4b:s10+s4], $0x80, $0x38;
	[tilespmem:$0x8900] =	vst v63  }
0x40: {  	_ =	swait.ge [sflag:s9], $0x80  }
0x41: {  	[sflag:s9] =	ssyncset.done $0x0  }
0x42: {  	s16 =	simm.s32 $0x80;
	s20 =	simm.s32 $0x900;
	[sflag:s9] =	ssyncadd.s32 $0xFFFFFF80  }
0x43: {  	[tilespmem:s20], [sflag:$0x1] =	stream.indirect.gather [hbm4b:s3+s16], $0x80, s13, s16, $0xb8;
	[tilespmem:$0x8900] =	vst v63  }
0x44: {  	_ =	swait.ge [sflag:s9], $0x4000  }
0x45: {  	[sflag:s9] =	ssyncset.done $0x0  }
0x46: {  	[sflag:s9] =	ssyncadd.s32 $0xFFFFC000  }
0x47: {  	[hbm4b:s2+s16] =	stream.indirect.scatter [tilespmem:s20], [sflag:$0x3], $0x80, s17, s16, $0xb8;
	[tilespmem:$0x8900] =	vst v63  }
0x48: {  	s18 =	simm.s32 $0x880;
	s23 =	sadd.s32 $0x10, s10  }
0x49: {  	[tilespmem:s18], [sflag:$0x1] =	stream.linear.gather [hbm4b:s23+s4], $0x80, $0x38;
	[tilespmem:$0x8900] =	vst v63  }
0x4a: {  	_ =	swait.ge [sflag:s9], $0x80  }
0x4b: {  	[sflag:s9] =	ssyncset.done $0x0  }
0x4c: {  	s24 =	simm.s32 $0x280;
	s21 =	simm.s32 $0x4900;
	[sflag:s9] =	ssyncadd.s32 $0xFFFFFF80  }
0x4d: {  	[tilespmem:s21], [sflag:$0x1] =	stream.indirect.gather [hbm4b:s3+s16], $0x80, s24, s16, $0xb8;
	[tilespmem:$0x8900] =	vst v63  }
0x4e: {  	s25 =	ssub.s32 $0x2, s25;
	_ =	swait.ge [sflag:s9], $0x4000  }
0x4f: {  	s26 =	sshrl.u32 s25, $0x1;
	[sflag:s9] =	ssyncset.done $0x0  }
0x50: {  	s22 =	simm.s32 $0x3;
	s25 =	ssub.s32 s25, s26;
	[sflag:s9] =	ssyncadd.s32 $0xFFFFC000  }
0x51: {  	[hbm4b:s2+s16] =	stream.indirect.scatter [tilespmem:s21], [sflag:$0x4], $0x80, s18, s16, $0xb8;
	[tilespmem:$0x8900] =	vst v63  }
0x52: {  	s25 =	smax.u32 s25, $0x1;
	_ =	swait.ge [sflag:s22], $0x4000  }
0x53: {  	p0 =	sne.s32 s25, $0x1;
	[sflag:s22] =	ssyncset.done $0x0  }
.Ltmp0:
0x54: {  	s29 =	sadd.s32 $0x20, s10;
	[sflag:s22] =	ssyncadd.s32 $0xFFFFC000;
	(pc) =	sbr.rel @!p0 .LBB2_2-.Ltmp0, $4  }
0x55: {  	[tilespmem:s17], [sflag:$0x1] =	stream.linear.gather [hbm4b:s29+s4], $0x80, $0x38;
	[tilespmem:$0x8900] =	vst v63  }
0x56: {  	s31 =	simm.s32 $0x300;
	_ =	swait.ge [sflag:s9], $0x80  }
0x57: {  	s26 =	simm.s32 $0x380;
	s28 =	sadd.s32 $0x30, s10;
	[sflag:s9] =	ssyncset.done $0x0  }
0x58: {  	s30 =	sadd.s32 $0xFFFFFFFF, s25;
	s25 =	simm.s32 $0x4;
	[sflag:s9] =	ssyncadd.s32 $0xFFFFFF80  }
.LBB2_1:
0x59: {  	[tilespmem:s20], [sflag:$0x1] =	stream.indirect.gather [hbm4b:s3+s16], $0x80, s31, s16, $0xb8;
	[tilespmem:$0x8900] =	vst v63  }
0x5a: {  	p0 =	sne.s32 s30, $0x1;
	s30 =	sadd.s32 $0xFFFFFFFF, s30;
	_ =	swait.ge [sflag:s9], $0x4000  }
0x5b: {  	[sflag:s9] =	ssyncset.done $0x0  }
0x5c: {  	[sflag:s9] =	ssyncadd.s32 $0xFFFFC000  }
0x5d: {  	[hbm4b:s2+s16] =	stream.indirect.scatter [tilespmem:s20], [sflag:$0x3], $0x80, s17, s16, $0xb8;
	[tilespmem:$0x8900] =	vst v63  }
0x5e: {  	_ =	swait.ge [sflag:s25], $0x4000  }
0x5f: {  	[sflag:s25] =	ssyncset.done $0x0  }
0x60: {  	[sflag:s25] =	ssyncadd.s32 $0xFFFFC000  }
0x61: {  	[tilespmem:s18], [sflag:$0x1] =	stream.linear.gather [hbm4b:s28+s4], $0x80, $0x38;
	[tilespmem:$0x8900] =	vst v63  }
0x62: {  	_ =	swait.ge [sflag:s9], $0x80  }
0x63: {  	[sflag:s9] =	ssyncset.done $0x0  }
0x64: {  	[sflag:s9] =	ssyncadd.s32 $0xFFFFFF80  }
0x65: {  	[tilespmem:s21], [sflag:$0x1] =	stream.indirect.gather [hbm4b:s3+s16], $0x80, s26, s16, $0xb8;
	[tilespmem:$0x8900] =	vst v63  }
0x66: {  	_ =	swait.ge [sflag:s9], $0x4000  }
0x67: {  	[sflag:s9] =	ssyncset.done $0x0  }
0x68: {  	[sflag:s9] =	ssyncadd.s32 $0xFFFFC000  }
0x69: {  	[hbm4b:s2+s16] =	stream.indirect.scatter [tilespmem:s21], [sflag:$0x4], $0x80, s18, s16, $0xb8;
	[tilespmem:$0x8900] =	vst v63  }
0x6a: {  	_ =	swait.ge [sflag:s22], $0x4000  }
0x6b: {  	[sflag:s22] =	ssyncset.done $0x0  }
0x6c: {  	[sflag:s22] =	ssyncadd.s32 $0xFFFFC000  }
0x6d: {  	_ =	swait.ge [sflag:s25], $0x4000  }
0x6e: {  	[sflag:s25] =	ssyncset.done $0x0  }
0x6f: {  	[sflag:s25] =	ssyncadd.s32 $0xFFFFC000  }
0x70: {  	_ =	swait.ge [sflag:s15], $0x200  }
0x71: {  	[sflag:s15] =	ssyncset.done $0x0  }
0x72: {  	[sflag:s15] =	ssyncadd.s32 $0xFFFFFE00  }
0x73: {  	_ =	swait.ge [sflag:s15], $0x200  }
0x74: {  	[sflag:s15] =	ssyncset.done $0x0  }
0x75: {  	[sflag:s15] =	ssyncadd.s32 $0xFFFFFE00  }
0x76: {  	_ =	swait.ge [sflag:s15], $0x200  }
0x77: {  	[sflag:s15] =	ssyncset.done $0x0  }
0x78: {  	[sflag:s15] =	ssyncadd.s32 $0xFFFFFE00  }
0x79: {  	[tilespmem:s4], [sflag:$0x5] =	stream.linear.gather [hbm4b:s10+s4], $0x200, $0x38;
	[tilespmem:$0x8900] =	vst v63  }
0x7a: {  	_ =	swait.ge [sflag:s11], $0x200  }
0x7b: {  	[sflag:s11] =	ssyncset.done $0x0  }
0x7c: {  	[sflag:s11] =	ssyncadd.s32 $0xFFFFFE00  }
0x7d: {  	[tilespmem:s13], [sflag:$0x1] =	stream.indirect.gather [hbm4b:s12+s13], $0x1, s4, s13, $0xb8;
	[tilespmem:$0x8900] =	vst v63  }
0x7e: {  	_ =	swait.ge [sflag:s9], $0x200  }
0x7f: {  	[sflag:s9] =	ssyncset.done $0x0  }
0x80: {  	[sflag:s9] =	ssyncadd.s32 $0xFFFFFE00  }
0x81: {  	[tilespmem:s14], [sflag:$0x2] =	stream.indirect.gather [hbm4b:s5+s13], $0x1, s13, s13, $0xb8;
	[tilespmem:$0x8900] =	vst v63  }
0x82: {  	[tilespmem:$0x7F0] =	vst v0  }
0x83: {  	[tilespmem:$0x7E0] =	vst v0  }
0x84: {  	[tilespmem:$0x7D0] =	vst v0  }
0x85: {  	[tilespmem:$0x7C0] =	vst v0  }
0x86: {  	[tilespmem:$0x7B0] =	vst v0  }
0x87: {  	[tilespmem:$0x7A0] =	vst v0  }
0x88: {  	[tilespmem:$0x790] =	vst v0  }
0x89: {  	[tilespmem:$0x780] =	vst v0  }
0x8a: {  	[tilespmem:$0x770] =	vst v0  }
0x8b: {  	[tilespmem:$0x760] =	vst v0  }
0x8c: {  	[tilespmem:$0x750] =	vst v0  }
0x8d: {  	[tilespmem:$0x740] =	vst v0  }
0x8e: {  	[tilespmem:$0x730] =	vst v0  }
0x8f: {  	[tilespmem:$0x720] =	vst v0  }
0x90: {  	[tilespmem:$0x710] =	vst v0  }
0x91: {  	[tilespmem:$0x700] =	vst v0  }
0x92: {  	[tilespmem:$0x6F0] =	vst v0  }
0x93: {  	[tilespmem:$0x6E0] =	vst v0  }
0x94: {  	[tilespmem:$0x6D0] =	vst v0  }
0x95: {  	[tilespmem:$0x6C0] =	vst v0  }
0x96: {  	[tilespmem:$0x6B0] =	vst v0  }
0x97: {  	[tilespmem:$0x6A0] =	vst v0  }
0x98: {  	[tilespmem:$0x690] =	vst v0  }
0x99: {  	[tilespmem:$0x680] =	vst v0  }
0x9a: {  	[tilespmem:$0x670] =	vst v0  }
0x9b: {  	[tilespmem:$0x660] =	vst v0  }
0x9c: {  	[tilespmem:$0x650] =	vst v0  }
0x9d: {  	[tilespmem:$0x640] =	vst v0  }
0x9e: {  	[tilespmem:$0x630] =	vst v0  }
0x9f: {  	[tilespmem:$0x620] =	vst v0  }
0xa0: {  	[tilespmem:$0x600] =	vst v0  }
0xa1: {  	[tilespmem:$0x610] =	vst v0  }
0xa2: {  	_ =	swait.ge [sflag:s15], $0x200  }
0xa3: {  	[sflag:s15] =	ssyncset.done $0x0  }
0xa4: {  	[sflag:s15] =	ssyncadd.s32 $0xFFFFFE00  }
0xa5: {  	[hbm4b:s6+s13] =	stream.indirect.scatter [tilespmem:s14], [sflag:$0x2], $0x1, s4, s13, $0xb8;
	[tilespmem:$0x8900] =	vst v63  }
0xa6: {  	_ = 	snop  }
0xa7: {  	[hbm4b:s7+s13] =	stream.indirect.scatter [tilespmem:s19], [sflag:$0x2], $0x1, s4, s13, $0xb8;
	[tilespmem:$0x8900] =	vst v63  }
0xa8: {  	_ = 	snop  }
0xa9: {  	[hbm4b:s8+s13] =	stream.indirect.scatter [tilespmem:s19], [sflag:$0x2], $0x1, s4, s13, $0xb8;
	[tilespmem:$0x8900] =	vst v63  }
0xaa: {  	_ = 	snop  }
0xab: {  	[tilespmem:s17], [sflag:$0x1] =	stream.linear.gather [hbm4b:s10+s4], $0x80, $0x38;
	[tilespmem:$0x8900] =	vst v63  }
0xac: {  	_ =	swait.ge [sflag:s9], $0x80  }
0xad: {  	[sflag:s9] =	ssyncset.done $0x0  }
0xae: {  	[sflag:s9] =	ssyncadd.s32 $0xFFFFFF80  }
0xaf: {  	[tilespmem:s20], [sflag:$0x1] =	stream.indirect.gather [hbm4b:s3+s16], $0x80, s13, s16, $0xb8;
	[tilespmem:$0x8900] =	vst v63  }
0xb0: {  	_ =	swait.ge [sflag:s9], $0x4000  }
0xb1: {  	[sflag:s9] =	ssyncset.done $0x0  }
0xb2: {  	[sflag:s9] =	ssyncadd.s32 $0xFFFFC000  }
0xb3: {  	[hbm4b:s2+s16] =	stream.indirect.scatter [tilespmem:s20], [sflag:$0x3], $0x80, s17, s16, $0xb8;
	[tilespmem:$0x8900] =	vst v63  }
0xb4: {  	_ = 	snop  }
0xb5: {  	[tilespmem:s18], [sflag:$0x1] =	stream.linear.gather [hbm4b:s23+s4], $0x80, $0x38;
	[tilespmem:$0x8900] =	vst v63  }
0xb6: {  	_ =	swait.ge [sflag:s9], $0x80  }
0xb7: {  	[sflag:s9] =	ssyncset.done $0x0  }
0xb8: {  	[sflag:s9] =	ssyncadd.s32 $0xFFFFFF80  }
0xb9: {  	[tilespmem:s21], [sflag:$0x1] =	stream.indirect.gather [hbm4b:s3+s16], $0x80, s24, s16, $0xb8;
	[tilespmem:$0x8900] =	vst v63  }
0xba: {  	_ =	swait.ge [sflag:s9], $0x4000  }
0xbb: {  	[sflag:s9] =	ssyncset.done $0x0  }
0xbc: {  	[sflag:s9] =	ssyncadd.s32 $0xFFFFC000  }
0xbd: {  	[hbm4b:s2+s16] =	stream.indirect.scatter [tilespmem:s21], [sflag:$0x4], $0x80, s18, s16, $0xb8;
	[tilespmem:$0x8900] =	vst v63  }
0xbe: {  	_ =	swait.ge [sflag:s22], $0x4000  }
0xbf: {  	[sflag:s22] =	ssyncset.done $0x0  }
.Ltmp1:
0xc0: {  	[sflag:s22] =	ssyncadd.s32 $0xFFFFC000;
	(pc) =	sbr.rel @p0 .LBB2_1-.Ltmp1, $4  }
0xc1: {  	[tilespmem:s17], [sflag:$0x1] =	stream.linear.gather [hbm4b:s29+s4], $0x80, $0x38;
	[tilespmem:$0x8900] =	vst v63  }
0xc2: {  	_ =	swait.ge [sflag:s9], $0x80  }
0xc3: {  	[sflag:s9] =	ssyncset.done $0x0  }
0xc4: {  	[sflag:s9] =	ssyncadd.s32 $0xFFFFFF80  }
.LBB2_2:
0xc5: {  	[tilespmem:s20], [sflag:$0x1] =	stream.indirect.gather [hbm4b:s3+s16], $0x80, s31, s16, $0xb8;
	[tilespmem:$0x8900] =	vst v63  }
0xc6: {  	_ =	swait.ge [sflag:s9], $0x4000  }
0xc7: {  	[sflag:s9] =	ssyncset.done $0x0  }
0xc8: {  	[sflag:s9] =	ssyncadd.s32 $0xFFFFC000  }
0xc9: {  	[hbm4b:s2+s16] =	stream.indirect.scatter [tilespmem:s20], [sflag:$0x3], $0x80, s17, s16, $0xb8;
	[tilespmem:$0x8900] =	vst v63  }
0xca: {  	_ =	swait.ge [sflag:s25], $0x4000  }
0xcb: {  	[sflag:s25] =	ssyncset.done $0x0  }
0xcc: {  	[sflag:s25] =	ssyncadd.s32 $0xFFFFC000  }
0xcd: {  	[tilespmem:s18], [sflag:$0x1] =	stream.linear.gather [hbm4b:s28+s4], $0x80, $0x38;
	[tilespmem:$0x8900] =	vst v63  }
0xce: {  	_ =	swait.ge [sflag:s9], $0x80  }
0xcf: {  	[sflag:s9] =	ssyncset.done $0x0  }
0xd0: {  	[sflag:s9] =	ssyncadd.s32 $0xFFFFFF80  }
0xd1: {  	[tilespmem:s21], [sflag:$0x1] =	stream.indirect.gather [hbm4b:s3+s16], $0x80, s26, s16, $0xb8;
	[tilespmem:$0x8900] =	vst v63  }
0xd2: {  	_ =	swait.ge [sflag:s9], $0x4000  }
0xd3: {  	[sflag:s9] =	ssyncset.done $0x0  }
0xd4: {  	[sflag:s9] =	ssyncadd.s32 $0xFFFFC000  }
0xd5: {  	[hbm4b:s2+s16] =	stream.indirect.scatter [tilespmem:s21], [sflag:$0x4], $0x80, s18, s16, $0xb8;
	[tilespmem:$0x8900] =	vst v63  }
0xd6: {  	_ =	swait.ge [sflag:s22], $0x4000  }
0xd7: {  	[sflag:s22] =	ssyncset.done $0x0  }
0xd8: {  	[sflag:s22] =	ssyncadd.s32 $0xFFFFC000  }
0xd9: {  	_ =	swait.ge [sflag:s25], $0x4000  }
0xda: {  	[sflag:s25] =	ssyncset.done $0x0  }
0xdb: {  	[sflag:s25] =	ssyncadd.s32 $0xFFFFC000  }
0xdc: {  	_ =	swait.ge [sflag:s15], $0x200  }
0xdd: {  	[sflag:s15] =	ssyncset.done $0x0  }
0xde: {  	[sflag:s15] =	ssyncadd.s32 $0xFFFFFE00  }
0xdf: {  	_ =	swait.ge [sflag:s15], $0x200  }
0xe0: {  	[sflag:s15] =	ssyncset.done $0x0  }
0xe1: {  	[sflag:s15] =	ssyncadd.s32 $0xFFFFFE00  }
0xe2: {  	_ =	swait.ge [sflag:s15], $0x200  }
0xe3: {  	[sflag:s15] =	ssyncset.done $0x0  }
0xe4: {  	[sflag:s15] =	ssyncadd.s32 $0xFFFFFE00  }
0xe5: {  	_ =	sfence.sel $0x180000  }
0xe6: {  	[bflag:$0x0] =	sbarrier.arrive $0xFFFF  }
0xe7: {  	p0 =	sne.s32 s1, $0x0;
	_ =	strace $0x90000047  }
0xe8: {  	s0 =	sadd.s32 @!p0 $0x100000, s0;
	[bflag:$0x2] =	sbarrier.arrive $0xFFFF  }
0xe9: {  	[sflag:s0] =	ssyncadd.tile.s32 @!p0 $0x1;
	_ =	shalt  }
.Lfunc_end2:
_tile_overlayer_lowered:
.L_overlay_start_2:
0xea: {  	(tag) =	ssettag $0x2  }
0xeb: {  	s0 =	rddreg [dreg:$0x0];
	s2 =	stileid.u32  }
0xec: {  	s1 =	rddreg [dreg:$0x1];
	p0 =	sne.s32 s2, $0x0  }
0xed: {  	s3 =	rddreg [dreg:$0x2];
	[bflag:$0x3] =	sbarrier.arrive $0xFFFF;
	s2 =	simm.s32 @!p0 $0x1C05  }
0xee: {  	[timem:s3], [sflag:s2] =	dma.local @!p0 [hbm:s0], s1  }
0xef: {  	s0 =	simm.s32 @!p0 $0x5  }
0xf0: {  	_ =	swait.ge @!p0 [sflag:s0], s1  }
0xf1: {  	s1 =	ssub.s32 @!p0 $0x0, s1;
	[sflag:s0] =	ssyncset.done @!p0 $0x0  }
0xf2: {  	[sflag:s0] =	ssyncadd.s32 @!p0 s1  }
0xf3: {  	[bflag:$0x3] =	sbarrier.arrive $0xFFFF  }
0xf4: {  	_ =	shalt  }

</sc_bundles>
